<compile_context>
chip_gen: v7x
topology: tpu7x:2x2x1
jax: 0.10.2.dev20260603
libtpu: 0.0.44.dev20260713+nightly
codegen_flags: <defaults>
</compile_context>

<pallas_src>
import functools

import jax
import jax.numpy as jnp
from jax import lax
from jax.experimental import pallas as pl
from jax.experimental.pallas import tpu as pltpu
from jax.experimental.pallas import tpu_sc as plsc

N_TOK = 2048
GROUPS = 512
ARITY = 4
OUT_DIM = 16
ENTRIES = 81
REF_IND = 40.0

NUM_CORES = 2
NUM_SUBCORES = 16
NUM_WORKERS = NUM_CORES * NUM_SUBCORES
GW = GROUPS // NUM_WORKERS
T_CHUNK = 256
N_CHUNKS = N_TOK // T_CHUNK
LANES = 16

_W_POS = (1.0, 3.0, 9.0, 27.0)
_NETWORK = ((0, 1), (2, 3), (0, 2), (1, 3), (1, 2))


def _sc_body(x_hbm, p_hbm, out_hbm, xbuf, pbuf, obuf):
    wid = lax.axis_index("s") * NUM_CORES + lax.axis_index("c")
    iota = lax.iota(jnp.int32, LANES)

    pltpu.sync_copy(p_hbm.at[pl.ds(wid * GW * ENTRIES, GW * ENTRIES)], pbuf)

    @pl.loop(0, N_CHUNKS)
    def _chunk(c):
        t_base = c * T_CHUNK
        pltpu.sync_copy(
            x_hbm.at[pl.ds(t_base, T_CHUNK), pl.ds(wid * (GW * ARITY), GW * ARITY)],
            xbuf,
        )

        @pl.loop(0, GW)
        def _group(gl):
            xcol = gl * ARITY
            prow = gl * ENTRIES
            ocol = gl * OUT_DIM

            @pl.loop(0, T_CHUNK, step=LANES)
            def _tile(t0):
                rows = t0 + iota
                sv = []
                wv = []
                for f in range(ARITY):
                    a = plsc.load_gather(
                        xbuf, [rows, jnp.full((LANES,), xcol + f, jnp.int32)]
                    )
                    sv.append(jnp.abs(a))
                    wv.append(jnp.where(a >= 0.0, _W_POS[f], -_W_POS[f]))
                for ia, ib in _NETWORK:
                    cmp = sv[ia] <= sv[ib]
                    lo_s = jnp.minimum(sv[ia], sv[ib])
                    hi_s = jnp.maximum(sv[ia], sv[ib])
                    lo_w = jnp.where(cmp, wv[ia], wv[ib])
                    hi_w = jnp.where(cmp, wv[ib], wv[ia])
                    sv[ia], sv[ib] = lo_s, hi_s
                    wv[ia], wv[ib] = lo_w, hi_w
                coef = (sv[0], sv[1] - sv[0], sv[2] - sv[1], sv[3] - sv[2])
                u3 = wv[3]
                u2 = u3 + wv[2]
                u1 = u2 + wv[1]
                u0 = u1 + wv[0]
                prows = [
                    prow + (REF_IND + u).astype(jnp.int32) for u in (u0, u1, u2, u3)
                ]
                for d in range(OUT_DIM):
                    dcol = jnp.full((LANES,), d, jnp.int32)
                    acc = coef[0] * plsc.load_gather(pbuf, [prows[0], dcol])
                    for j in range(1, ARITY):
                        acc += coef[j] * plsc.load_gather(pbuf, [prows[j], dcol])
                    plsc.store_scatter(
                        obuf, [rows, jnp.full((LANES,), ocol + d, jnp.int32)], acc
                    )

        pltpu.sync_copy(
            obuf,
            out_hbm.at[pl.ds(t_base, T_CHUNK), pl.ds(wid * (GW * OUT_DIM), GW * OUT_DIM)],
        )


@jax.jit
def _run(X, params_flat):
    mesh = plsc.VectorSubcoreMesh(
        core_axis_name="c",
        subcore_axis_name="s",
        num_cores=NUM_CORES,
        num_subcores=NUM_SUBCORES,
    )
    fn = pl.kernel(
        _sc_body,
        out_type=jax.ShapeDtypeStruct((N_TOK, GROUPS * OUT_DIM), jnp.float32),
        mesh=mesh,
        scratch_types=[
            pltpu.VMEM((T_CHUNK, GW * ARITY), jnp.float32),
            pltpu.VMEM((GW * ENTRIES, OUT_DIM), jnp.float32),
            pltpu.VMEM((T_CHUNK, GW * OUT_DIM), jnp.float32),
        ],
        compiler_params=pltpu.CompilerParams(
            use_tc_tiling_on_sc=False, needs_layout_passes=False
        ),
    )
    return fn(X, params_flat)


def kernel(X, params):
    return _run(X, params.reshape(GROUPS * ENTRIES, OUT_DIM))

# --- scband reference (transcript-rebuilt; emitter-appended) ---
"""Pipeline reference for scband-batch-high-order-activation-b-16741782520155 (READ-ONLY COPY).

The authoritative reference and input builder live on the scoring server;
editing this copy changes nothing except your own understanding.
"""

import jax, jax.numpy as jnp
import numpy as np

ARITY = 4
GROUPS = 512
OUT_DIM = 16
N_TOK = 2048


def cartesian_power(values, power):
    if power == 0:
        return np.zeros((1, 0), dtype=np.float32)
    A = cartesian_power(values, power - 1)
    return np.concatenate([np.concatenate([A, np.full((A.shape[0], 1), x, dtype=np.float32)], axis=1) for x in values], axis=0)


def setup_inputs(seed: int = 0) -> dict:
    key = jax.random.key(seed)
    X = jax.random.normal(key, (N_TOK, GROUPS * ARITY), dtype=jnp.float32)
    coords = cartesian_power([-1.0, 0.0, 1.0], ARITY)
    base = coords.max(axis=1).reshape(1, 3 ** ARITY, 1).astype(np.float32)
    params_np = np.broadcast_to(base, (GROUPS, 3 ** ARITY, OUT_DIM)).copy() * (1.0 / 1.0)
    params = jnp.asarray(params_np, dtype=jnp.float32)
    return {"X": X, "params": params}


def reference(X, params):
    G = params.shape[0]
    D = params.shape[2]
    k = ARITY
    N = X.shape[0]
    # X is 2D: transpose(1, 1) is identity
    A = X.reshape(N, G, k)
    ref_ind = sum(3 ** i for i in range(k))
    A_abs = jnp.abs(A)
    A_ind = jnp.argsort(A_abs, axis=2).astype(jnp.int32)
    A_sort = jnp.take_along_axis(A_abs, A_ind, axis=2)
    A_sgn = jnp.where(A >= 0, jnp.int32(1), jnp.int32(-1))
    A_sgn = jnp.take_along_axis(A_sgn, A_ind, axis=2)
    A_diff = A_sort[:, :, 1:] - A_sort[:, :, :-1]
    coef = jnp.concatenate([A_sort[:, :, 0:1], A_diff], axis=2)
    t = A_sgn * (3 ** A_ind)
    params_A_ind = jnp.flip(jnp.cumsum(jnp.flip(t, axis=2), axis=2), axis=2) + ref_ind
    ind0b = jnp.arange(G, dtype=jnp.int32)[:, None, None]
    ind1b = jnp.transpose(params_A_ind, (1, 0, 2))
    params_gather = params[ind0b, ind1b, :]  # [G, N, k, D]
    out = jnp.einsum('jikl,ijk->ijl', params_gather, coef)  # [N, G, D]
    return out.reshape(N, G * D)


if False:  # reference __main__ guard neutralized (emitter)
    inp = setup_inputs()
    o = reference(**inp)
    print(o.shape)

if __name__ == "__main__":
    import jax
    _d = setup_inputs()
    print(jax.jit(kernel)(*tuple(_d.values())))

</pallas_src>

<mosaic_0001>
#map = affine_map<(d0, d1) -> (0, 0)>
module attributes {stable_mosaic.version = 14 : i64} {
  func.func @_sc_body(%arg0: i32, %arg1: i32, %arg2: memref<2048x2048xf32, #tpu.memory_space<hbm>>, %arg3: memref<41472x16xf32, #tpu.memory_space<hbm>>, %arg4: memref<2048x8192xf32, #tpu.memory_space<hbm>>, %arg5: memref<256x64xf32, #tpu.memory_space<vmem>>, %arg6: memref<1296x16xf32, #tpu.memory_space<vmem>>, %arg7: memref<256x256xf32, #tpu.memory_space<vmem>>) attributes {dimension_semantics = [#tpu.dimension_semantics<core_parallel>, #tpu.dimension_semantics<subcore_parallel>], iteration_bounds = array<i64: 2, 16>, scalar_prefetch = 0 : i64, scratch_operands = 3 : i64, tpu.core_type = #tpu.core_type<sc_vector_subcore>, window_params = [{transform_indices = #map}, {transform_indices = #map}, {transform_indices = #map}]} {
    %mul3A = arith.constant 2 : i32
    %mul3A_0 = arith.muli %arg1, %mul3A : i32
    %add3A = arith.addi %mul3A_0, %arg0 : i32
    %iota3A = tpu.iota {dimensions = array<i32: 0>} : vector<16xi32>
    %mul3A_1 = arith.constant 16 : i32
    %mul3A_2 = arith.muli %add3A, %mul3A_1 : i32
    %mul3A_3 = arith.constant 81 : i32
    %mul3A_4 = arith.muli %mul3A_2, %mul3A_3 : i32
    "tpu.region"() ({
      %run_scoped3A = tpu.sem_alloc : memref<!tpu.dma_semaphore, #tpu.memory_space<semaphore_mem>>
      %dma_start3A = arith.constant 0 : i32
      %dma_start3A_9 = tpu.memref_slice %arg3[%mul3A_4, %dma_start3A] : memref<41472x16xf32, #tpu.memory_space<hbm>> -> memref<1296x16xf32, #tpu.memory_space<hbm>>
      %dma_start3A_10 = arith.constant 0 : i32
      %dma_start3A_11 = tpu.memref_slice %arg3[%mul3A_4, %dma_start3A_10] : memref<41472x16xf32, #tpu.memory_space<hbm>> -> memref<1296x16xf32, #tpu.memory_space<hbm>>
      tpu.enqueue_dma source(%dma_start3A_11 : memref<1296x16xf32, #tpu.memory_space<hbm>>) target(%arg6 : memref<1296x16xf32, #tpu.memory_space<vmem>>) target_semaphore(%run_scoped3A : memref<!tpu.dma_semaphore, #tpu.memory_space<semaphore_mem>>)
      %dma_wait3A = arith.constant 0 : i32
      %dma_wait3A_12 = tpu.memref_slice %arg3[%mul3A_4, %dma_wait3A] : memref<41472x16xf32, #tpu.memory_space<hbm>> -> memref<1296x16xf32, #tpu.memory_space<hbm>>
      %dma_wait3A_13 = arith.constant 0 : i32
      %dma_wait3A_14 = tpu.memref_slice %arg3[%mul3A_4, %dma_wait3A_13] : memref<41472x16xf32, #tpu.memory_space<hbm>> -> memref<1296x16xf32, #tpu.memory_space<hbm>>
      tpu.wait_dma2 semaphore(%run_scoped3A : memref<!tpu.dma_semaphore, #tpu.memory_space<semaphore_mem>>) src(%dma_wait3A_14 : memref<1296x16xf32, #tpu.memory_space<hbm>>) dst(%arg6 : memref<1296x16xf32, #tpu.memory_space<vmem>>)
      tpu.yield
    }) : () -> ()
    %scan3A = arith.constant 0 : i32
    %scan3A_5 = arith.constant 8 : i32
    %scan3A_6 = arith.addi %scan3A, %scan3A_5 : i32
    %scan3A_7 = arith.constant 1 : i32
    scf.for %scan3A_9 = %scan3A to %scan3A_6 step %scan3A_7  : i32 {
      %mul3A_10 = arith.constant 1 : i32
      %mul3A_11 = arith.muli %scan3A_9, %mul3A_10 : i32
      %add3A_12 = arith.constant 0 : i32
      %add3A_13 = arith.addi %add3A_12, %mul3A_11 : i32
      %mul3A_14 = arith.constant 256 : i32
      %mul3A_15 = arith.muli %add3A_13, %mul3A_14 : i32
      %mul3A_16 = arith.constant 64 : i32
      %mul3A_17 = arith.muli %add3A, %mul3A_16 : i32
      "tpu.region"() ({
        %run_scoped3A = tpu.sem_alloc : memref<!tpu.dma_semaphore, #tpu.memory_space<semaphore_mem>>
        %dma_start3A = tpu.memref_slice %arg2[%mul3A_15, %mul3A_17] : memref<2048x2048xf32, #tpu.memory_space<hbm>> -> memref<256x64xf32, #tpu.memory_space<hbm>>
        %dma_start3A_25 = tpu.memref_slice %arg2[%mul3A_15, %mul3A_17] : memref<2048x2048xf32, #tpu.memory_space<hbm>> -> memref<256x64xf32, #tpu.memory_space<hbm>>
        tpu.enqueue_dma source(%dma_start3A_25 : memref<256x64xf32, #tpu.memory_space<hbm>>) target(%arg5 : memref<256x64xf32, #tpu.memory_space<vmem>>) target_semaphore(%run_scoped3A : memref<!tpu.dma_semaphore, #tpu.memory_space<semaphore_mem>>)
        %dma_wait3A = tpu.memref_slice %arg2[%mul3A_15, %mul3A_17] : memref<2048x2048xf32, #tpu.memory_space<hbm>> -> memref<256x64xf32, #tpu.memory_space<hbm>>
        %dma_wait3A_26 = tpu.memref_slice %arg2[%mul3A_15, %mul3A_17] : memref<2048x2048xf32, #tpu.memory_space<hbm>> -> memref<256x64xf32, #tpu.memory_space<hbm>>
        tpu.wait_dma2 semaphore(%run_scoped3A : memref<!tpu.dma_semaphore, #tpu.memory_space<semaphore_mem>>) src(%dma_wait3A_26 : memref<256x64xf32, #tpu.memory_space<hbm>>) dst(%arg5 : memref<256x64xf32, #tpu.memory_space<vmem>>)
        tpu.yield
      }) : () -> ()
      %scan3A_18 = arith.constant 0 : i32
      %scan3A_19 = arith.constant 16 : i32
      %scan3A_20 = arith.addi %scan3A_18, %scan3A_19 : i32
      %scan3A_21 = arith.constant 1 : i32
      scf.for %scan3A_25 = %scan3A_18 to %scan3A_20 step %scan3A_21  : i32 {
        %mul3A_26 = arith.constant 1 : i32
        %mul3A_27 = arith.muli %scan3A_25, %mul3A_26 : i32
        %add3A_28 = arith.constant 0 : i32
        %add3A_29 = arith.addi %add3A_28, %mul3A_27 : i32
        %mul3A_30 = arith.constant 4 : i32
        %mul3A_31 = arith.muli %add3A_29, %mul3A_30 : i32
        %mul3A_32 = arith.constant 81 : i32
        %mul3A_33 = arith.muli %add3A_29, %mul3A_32 : i32
        %mul3A_34 = arith.constant 16 : i32
        %mul3A_35 = arith.muli %add3A_29, %mul3A_34 : i32
        %scan3A_36 = arith.constant 0 : i32
        %scan3A_37 = arith.constant 16 : i32
        %scan3A_38 = arith.addi %scan3A_36, %scan3A_37 : i32
        %scan3A_39 = arith.constant 1 : i32
        scf.for %scan3A_41 = %scan3A_36 to %scan3A_38 step %scan3A_39  : i32 {
          %mul3A_42 = arith.constant 16 : i32
          %mul3A_43 = arith.muli %scan3A_41, %mul3A_42 : i32
          %add3A_44 = arith.constant 0 : i32
          %add3A_45 = arith.addi %add3A_44, %mul3A_43 : i32
          %add3A_46 = vector.broadcast %add3A_45 : i32 to vector<16xi32>
          %add3A_47 = arith.addi %add3A_46, %iota3A : vector<16xi32>
          %add3A_48 = arith.constant 0 : i32
          %add3A_49 = arith.addi %mul3A_31, %add3A_48 : i32
          %broadcast_in_dim3A = vector.broadcast %add3A_49 : i32 to vector<16xi32>
          %gather3A = tpu.vector_load_idx %arg5[%add3A_47, %broadcast_in_dim3A] : memref<256x64xf32, #tpu.memory_space<vmem>>[vector<16xi32>, vector<16xi32>], vector<16xf32>,
          %abs3A = math.absf %gather3A : vector<16xf32>
          %ge3A = arith.constant 0.000000e+00 : f32
          %ge3A_50 = vector.broadcast %ge3A : f32 to vector<16xf32>
          %ge3A_51 = arith.cmpf oge, %gather3A, %ge3A_50 : vector<16xf32>
          %jit3A = arith.constant 1.000000e+00 : f32
          %jit3A_52 = arith.constant -1.000000e+00 : f32
          %broadcast_in_dim3A_53 = vector.broadcast %jit3A : f32 to vector<16xf32>
          %broadcast_in_dim3A_54 = vector.broadcast %jit3A_52 : f32 to vector<16xf32>
          %select_n3A = arith.select %ge3A_51, %broadcast_in_dim3A_53, %broadcast_in_dim3A_54 : vector<16xi1>, vector<16xf32>
          %add3A_55 = arith.constant 1 : i32
          %add3A_56 = arith.addi %mul3A_31, %add3A_55 : i32
          %broadcast_in_dim3A_57 = vector.broadcast %add3A_56 : i32 to vector<16xi32>
          %gather3A_58 = tpu.vector_load_idx %arg5[%add3A_47, %broadcast_in_dim3A_57] : memref<256x64xf32, #tpu.memory_space<vmem>>[vector<16xi32>, vector<16xi32>], vector<16xf32>,
          %abs3A_59 = math.absf %gather3A_58 : vector<16xf32>
          %ge3A_60 = arith.constant 0.000000e+00 : f32
          %ge3A_61 = vector.broadcast %ge3A_60 : f32 to vector<16xf32>
          %ge3A_62 = arith.cmpf oge, %gather3A_58, %ge3A_61 : vector<16xf32>
          %jit3A_63 = arith.constant 3.000000e+00 : f32
          %jit3A_64 = arith.constant -3.000000e+00 : f32
          %broadcast_in_dim3A_65 = vector.broadcast %jit3A_63 : f32 to vector<16xf32>
          %broadcast_in_dim3A_66 = vector.broadcast %jit3A_64 : f32 to vector<16xf32>
          %select_n3A_67 = arith.select %ge3A_62, %broadcast_in_dim3A_65, %broadcast_in_dim3A_66 : vector<16xi1>, vector<16xf32>
          %add3A_68 = arith.constant 2 : i32
          %add3A_69 = arith.addi %mul3A_31, %add3A_68 : i32
          %broadcast_in_dim3A_70 = vector.broadcast %add3A_69 : i32 to vector<16xi32>
          %gather3A_71 = tpu.vector_load_idx %arg5[%add3A_47, %broadcast_in_dim3A_70] : memref<256x64xf32, #tpu.memory_space<vmem>>[vector<16xi32>, vector<16xi32>], vector<16xf32>,
          %abs3A_72 = math.absf %gather3A_71 : vector<16xf32>
          %ge3A_73 = arith.constant 0.000000e+00 : f32
          %ge3A_74 = vector.broadcast %ge3A_73 : f32 to vector<16xf32>
          %ge3A_75 = arith.cmpf oge, %gather3A_71, %ge3A_74 : vector<16xf32>
          %jit3A_76 = arith.constant 9.000000e+00 : f32
          %jit3A_77 = arith.constant -9.000000e+00 : f32
          %broadcast_in_dim3A_78 = vector.broadcast %jit3A_76 : f32 to vector<16xf32>
          %broadcast_in_dim3A_79 = vector.broadcast %jit3A_77 : f32 to vector<16xf32>
          %select_n3A_80 = arith.select %ge3A_75, %broadcast_in_dim3A_78, %broadcast_in_dim3A_79 : vector<16xi1>, vector<16xf32>
          %add3A_81 = arith.constant 3 : i32
          %add3A_82 = arith.addi %mul3A_31, %add3A_81 : i32
          %broadcast_in_dim3A_83 = vector.broadcast %add3A_82 : i32 to vector<16xi32>
          %gather3A_84 = tpu.vector_load_idx %arg5[%add3A_47, %broadcast_in_dim3A_83] : memref<256x64xf32, #tpu.memory_space<vmem>>[vector<16xi32>, vector<16xi32>], vector<16xf32>,
          %abs3A_85 = math.absf %gather3A_84 : vector<16xf32>
          %ge3A_86 = arith.constant 0.000000e+00 : f32
          %ge3A_87 = vector.broadcast %ge3A_86 : f32 to vector<16xf32>
          %ge3A_88 = arith.cmpf oge, %gather3A_84, %ge3A_87 : vector<16xf32>
          %jit3A_89 = arith.constant 2.700000e+01 : f32
          %jit3A_90 = arith.constant -2.700000e+01 : f32
          %broadcast_in_dim3A_91 = vector.broadcast %jit3A_89 : f32 to vector<16xf32>
          %broadcast_in_dim3A_92 = vector.broadcast %jit3A_90 : f32 to vector<16xf32>
          %select_n3A_93 = arith.select %ge3A_88, %broadcast_in_dim3A_91, %broadcast_in_dim3A_92 : vector<16xi1>, vector<16xf32>
          %le3A = arith.cmpf ole, %abs3A, %abs3A_59 : vector<16xf32>
          %min3A = arith.minimumf %abs3A, %abs3A_59 : vector<16xf32>
          %max3A = arith.maximumf %abs3A, %abs3A_59 : vector<16xf32>
          %select_n3A_94 = arith.select %le3A, %select_n3A, %select_n3A_67 : vector<16xi1>, vector<16xf32>
          %select_n3A_95 = arith.select %le3A, %select_n3A_67, %select_n3A : vector<16xi1>, vector<16xf32>
          %le3A_96 = arith.cmpf ole, %abs3A_72, %abs3A_85 : vector<16xf32>
          %min3A_97 = arith.minimumf %abs3A_72, %abs3A_85 : vector<16xf32>
          %max3A_98 = arith.maximumf %abs3A_72, %abs3A_85 : vector<16xf32>
          %select_n3A_99 = arith.select %le3A_96, %select_n3A_80, %select_n3A_93 : vector<16xi1>, vector<16xf32>
          %select_n3A_100 = arith.select %le3A_96, %select_n3A_93, %select_n3A_80 : vector<16xi1>, vector<16xf32>
          %le3A_101 = arith.cmpf ole, %min3A, %min3A_97 : vector<16xf32>
          %min3A_102 = arith.minimumf %min3A, %min3A_97 : vector<16xf32>
          %max3A_103 = arith.maximumf %min3A, %min3A_97 : vector<16xf32>
          %select_n3A_104 = arith.select %le3A_101, %select_n3A_94, %select_n3A_99 : vector<16xi1>, vector<16xf32>
          %select_n3A_105 = arith.select %le3A_101, %select_n3A_99, %select_n3A_94 : vector<16xi1>, vector<16xf32>
          %le3A_106 = arith.cmpf ole, %max3A, %max3A_98 : vector<16xf32>
          %min3A_107 = arith.minimumf %max3A, %max3A_98 : vector<16xf32>
          %max3A_108 = arith.maximumf %max3A, %max3A_98 : vector<16xf32>
          %select_n3A_109 = arith.select %le3A_106, %select_n3A_95, %select_n3A_100 : vector<16xi1>, vector<16xf32>
          %select_n3A_110 = arith.select %le3A_106, %select_n3A_100, %select_n3A_95 : vector<16xi1>, vector<16xf32>
          %le3A_111 = arith.cmpf ole, %min3A_107, %max3A_103 : vector<16xf32>
          %min3A_112 = arith.minimumf %min3A_107, %max3A_103 : vector<16xf32>
          %max3A_113 = arith.maximumf %min3A_107, %max3A_103 : vector<16xf32>
          %select_n3A_114 = arith.select %le3A_111, %select_n3A_109, %select_n3A_105 : vector<16xi1>, vector<16xf32>
          %select_n3A_115 = arith.select %le3A_111, %select_n3A_105, %select_n3A_109 : vector<16xi1>, vector<16xf32>
          %sub3A = arith.subf %min3A_112, %min3A_102 : vector<16xf32>
          %sub3A_116 = arith.subf %max3A_113, %min3A_112 : vector<16xf32>
          %sub3A_117 = arith.subf %max3A_108, %max3A_113 : vector<16xf32>
          %add3A_118 = arith.addf %select_n3A_110, %select_n3A_115 : vector<16xf32>
          %add3A_119 = arith.addf %add3A_118, %select_n3A_114 : vector<16xf32>
          %add3A_120 = arith.addf %add3A_119, %select_n3A_104 : vector<16xf32>
          %add3A_121 = arith.constant 4.000000e+01 : f32
          %add3A_122 = vector.broadcast %add3A_121 : f32 to vector<16xf32>
          %add3A_123 = arith.addf %add3A_122, %add3A_120 : vector<16xf32>
          %convert_element_type3A = arith.fptosi %add3A_123 : vector<16xf32> to vector<16xi32>
          %add3A_124 = vector.broadcast %mul3A_33 : i32 to vector<16xi32>
          %add3A_125 = arith.addi %add3A_124, %convert_element_type3A : vector<16xi32>
          %add3A_126 = arith.constant 4.000000e+01 : f32
          %add3A_127 = vector.broadcast %add3A_126 : f32 to vector<16xf32>
          %add3A_128 = arith.addf %add3A_127, %add3A_119 : vector<16xf32>
          %convert_element_type3A_129 = arith.fptosi %add3A_128 : vector<16xf32> to vector<16xi32>
          %add3A_130 = vector.broadcast %mul3A_33 : i32 to vector<16xi32>
          %add3A_131 = arith.addi %add3A_130, %convert_element_type3A_129 : vector<16xi32>
          %add3A_132 = arith.constant 4.000000e+01 : f32
          %add3A_133 = vector.broadcast %add3A_132 : f32 to vector<16xf32>
          %add3A_134 = arith.addf %add3A_133, %add3A_118 : vector<16xf32>
          %convert_element_type3A_135 = arith.fptosi %add3A_134 : vector<16xf32> to vector<16xi32>
          %add3A_136 = vector.broadcast %mul3A_33 : i32 to vector<16xi32>
          %add3A_137 = arith.addi %add3A_136, %convert_element_type3A_135 : vector<16xi32>
          %add3A_138 = arith.constant 4.000000e+01 : f32
          %add3A_139 = vector.broadcast %add3A_138 : f32 to vector<16xf32>
          %add3A_140 = arith.addf %add3A_139, %select_n3A_110 : vector<16xf32>
          %convert_element_type3A_141 = arith.fptosi %add3A_140 : vector<16xf32> to vector<16xi32>
          %add3A_142 = vector.broadcast %mul3A_33 : i32 to vector<16xi32>
          %add3A_143 = arith.addi %add3A_142, %convert_element_type3A_141 : vector<16xi32>
          %broadcast_in_dim3A_144 = arith.constant 0 : i32
          %broadcast_in_dim3A_145 = vector.broadcast %broadcast_in_dim3A_144 : i32 to vector<16xi32>
          %gather3A_146 = tpu.vector_load_idx %arg6[%add3A_125, %broadcast_in_dim3A_145] : memref<1296x16xf32, #tpu.memory_space<vmem>>[vector<16xi32>, vector<16xi32>], vector<16xf32>,
          %mul3A_147 = arith.mulf %min3A_102, %gather3A_146 : vector<16xf32>
          %gather3A_148 = tpu.vector_load_idx %arg6[%add3A_131, %broadcast_in_dim3A_145] : memref<1296x16xf32, #tpu.memory_space<vmem>>[vector<16xi32>, vector<16xi32>], vector<16xf32>,
          %mul3A_149 = arith.mulf %sub3A, %gather3A_148 : vector<16xf32>
          %add3A_150 = arith.addf %mul3A_147, %mul3A_149 : vector<16xf32>
          %gather3A_151 = tpu.vector_load_idx %arg6[%add3A_137, %broadcast_in_dim3A_145] : memref<1296x16xf32, #tpu.memory_space<vmem>>[vector<16xi32>, vector<16xi32>], vector<16xf32>,
          %mul3A_152 = arith.mulf %sub3A_116, %gather3A_151 : vector<16xf32>
          %add3A_153 = arith.addf %add3A_150, %mul3A_152 : vector<16xf32>
          %gather3A_154 = tpu.vector_load_idx %arg6[%add3A_143, %broadcast_in_dim3A_145] : memref<1296x16xf32, #tpu.memory_space<vmem>>[vector<16xi32>, vector<16xi32>], vector<16xf32>,
          %mul3A_155 = arith.mulf %sub3A_117, %gather3A_154 : vector<16xf32>
          %add3A_156 = arith.addf %add3A_153, %mul3A_155 : vector<16xf32>
          %add3A_157 = arith.constant 0 : i32
          %add3A_158 = arith.addi %mul3A_35, %add3A_157 : i32
          %broadcast_in_dim3A_159 = vector.broadcast %add3A_158 : i32 to vector<16xi32>
          tpu.vector_store_idx %arg7[%add3A_47, %broadcast_in_dim3A_159], %add3A_156 : memref<256x256xf32, #tpu.memory_space<vmem>>[vector<16xi32>, vector<16xi32>], vector<16xf32>,
          %broadcast_in_dim3A_160 = arith.constant 1 : i32
          %broadcast_in_dim3A_161 = vector.broadcast %broadcast_in_dim3A_160 : i32 to vector<16xi32>
          %gather3A_162 = tpu.vector_load_idx %arg6[%add3A_125, %broadcast_in_dim3A_161] : memref<1296x16xf32, #tpu.memory_space<vmem>>[vector<16xi32>, vector<16xi32>], vector<16xf32>,
          %mul3A_163 = arith.mulf %min3A_102, %gather3A_162 : vector<16xf32>
          %gather3A_164 = tpu.vector_load_idx %arg6[%add3A_131, %broadcast_in_dim3A_161] : memref<1296x16xf32, #tpu.memory_space<vmem>>[vector<16xi32>, vector<16xi32>], vector<16xf32>,
          %mul3A_165 = arith.mulf %sub3A, %gather3A_164 : vector<16xf32>
          %add3A_166 = arith.addf %mul3A_163, %mul3A_165 : vector<16xf32>
          %gather3A_167 = tpu.vector_load_idx %arg6[%add3A_137, %broadcast_in_dim3A_161] : memref<1296x16xf32, #tpu.memory_space<vmem>>[vector<16xi32>, vector<16xi32>], vector<16xf32>,
          %mul3A_168 = arith.mulf %sub3A_116, %gather3A_167 : vector<16xf32>
          %add3A_169 = arith.addf %add3A_166, %mul3A_168 : vector<16xf32>
          %gather3A_170 = tpu.vector_load_idx %arg6[%add3A_143, %broadcast_in_dim3A_161] : memref<1296x16xf32, #tpu.memory_space<vmem>>[vector<16xi32>, vector<16xi32>], vector<16xf32>,
          %mul3A_171 = arith.mulf %sub3A_117, %gather3A_170 : vector<16xf32>
          %add3A_172 = arith.addf %add3A_169, %mul3A_171 : vector<16xf32>
          %add3A_173 = arith.constant 1 : i32
          %add3A_174 = arith.addi %mul3A_35, %add3A_173 : i32
          %broadcast_in_dim3A_175 = vector.broadcast %add3A_174 : i32 to vector<16xi32>
          tpu.vector_store_idx %arg7[%add3A_47, %broadcast_in_dim3A_175], %add3A_172 : memref<256x256xf32, #tpu.memory_space<vmem>>[vector<16xi32>, vector<16xi32>], vector<16xf32>,
          %broadcast_in_dim3A_176 = arith.constant 2 : i32
          %broadcast_in_dim3A_177 = vector.broadcast %broadcast_in_dim3A_176 : i32 to vector<16xi32>
          %gather3A_178 = tpu.vector_load_idx %arg6[%add3A_125, %broadcast_in_dim3A_177] : memref<1296x16xf32, #tpu.memory_space<vmem>>[vector<16xi32>, vector<16xi32>], vector<16xf32>,
          %mul3A_179 = arith.mulf %min3A_102, %gather3A_178 : vector<16xf32>
          %gather3A_180 = tpu.vector_load_idx %arg6[%add3A_131, %broadcast_in_dim3A_177] : memref<1296x16xf32, #tpu.memory_space<vmem>>[vector<16xi32>, vector<16xi32>], vector<16xf32>,
          %mul3A_181 = arith.mulf %sub3A, %gather3A_180 : vector<16xf32>
          %add3A_182 = arith.addf %mul3A_179, %mul3A_181 : vector<16xf32>
          %gather3A_183 = tpu.vector_load_idx %arg6[%add3A_137, %broadcast_in_dim3A_177] : memref<1296x16xf32, #tpu.memory_space<vmem>>[vector<16xi32>, vector<16xi32>], vector<16xf32>,
          %mul3A_184 = arith.mulf %sub3A_116, %gather3A_183 : vector<16xf32>
          %add3A_185 = arith.addf %add3A_182, %mul3A_184 : vector<16xf32>
          %gather3A_186 = tpu.vector_load_idx %arg6[%add3A_143, %broadcast_in_dim3A_177] : memref<1296x16xf32, #tpu.memory_space<vmem>>[vector<16xi32>, vector<16xi32>], vector<16xf32>,
          %mul3A_187 = arith.mulf %sub3A_117, %gather3A_186 : vector<16xf32>
          %add3A_188 = arith.addf %add3A_185, %mul3A_187 : vector<16xf32>
          %add3A_189 = arith.constant 2 : i32
          %add3A_190 = arith.addi %mul3A_35, %add3A_189 : i32
          %broadcast_in_dim3A_191 = vector.broadcast %add3A_190 : i32 to vector<16xi32>
          tpu.vector_store_idx %arg7[%add3A_47, %broadcast_in_dim3A_191], %add3A_188 : memref<256x256xf32, #tpu.memory_space<vmem>>[vector<16xi32>, vector<16xi32>], vector<16xf32>,
          %broadcast_in_dim3A_192 = arith.constant 3 : i32
          %broadcast_in_dim3A_193 = vector.broadcast %broadcast_in_dim3A_192 : i32 to vector<16xi32>
          %gather3A_194 = tpu.vector_load_idx %arg6[%add3A_125, %broadcast_in_dim3A_193] : memref<1296x16xf32, #tpu.memory_space<vmem>>[vector<16xi32>, vector<16xi32>], vector<16xf32>,
          %mul3A_195 = arith.mulf %min3A_102, %gather3A_194 : vector<16xf32>
          %gather3A_196 = tpu.vector_load_idx %arg6[%add3A_131, %broadcast_in_dim3A_193] : memref<1296x16xf32, #tpu.memory_space<vmem>>[vector<16xi32>, vector<16xi32>], vector<16xf32>,
          %mul3A_197 = arith.mulf %sub3A, %gather3A_196 : vector<16xf32>
          %add3A_198 = arith.addf %mul3A_195, %mul3A_197 : vector<16xf32>
          %gather3A_199 = tpu.vector_load_idx %arg6[%add3A_137, %broadcast_in_dim3A_193] : memref<1296x16xf32, #tpu.memory_space<vmem>>[vector<16xi32>, vector<16xi32>], vector<16xf32>,
          %mul3A_200 = arith.mulf %sub3A_116, %gather3A_199 : vector<16xf32>
          %add3A_201 = arith.addf %add3A_198, %mul3A_200 : vector<16xf32>
          %gather3A_202 = tpu.vector_load_idx %arg6[%add3A_143, %broadcast_in_dim3A_193] : memref<1296x16xf32, #tpu.memory_space<vmem>>[vector<16xi32>, vector<16xi32>], vector<16xf32>,
          %mul3A_203 = arith.mulf %sub3A_117, %gather3A_202 : vector<16xf32>
          %add3A_204 = arith.addf %add3A_201, %mul3A_203 : vector<16xf32>
          %add3A_205 = arith.constant 3 : i32
          %add3A_206 = arith.addi %mul3A_35, %add3A_205 : i32
          %broadcast_in_dim3A_207 = vector.broadcast %add3A_206 : i32 to vector<16xi32>
          tpu.vector_store_idx %arg7[%add3A_47, %broadcast_in_dim3A_207], %add3A_204 : memref<256x256xf32, #tpu.memory_space<vmem>>[vector<16xi32>, vector<16xi32>], vector<16xf32>,
          %broadcast_in_dim3A_208 = arith.constant 4 : i32
          %broadcast_in_dim3A_209 = vector.broadcast %broadcast_in_dim3A_208 : i32 to vector<16xi32>
          %gather3A_210 = tpu.vector_load_idx %arg6[%add3A_125, %broadcast_in_dim3A_209] : memref<1296x16xf32, #tpu.memory_space<vmem>>[vector<16xi32>, vector<16xi32>], vector<16xf32>,
          %mul3A_211 = arith.mulf %min3A_102, %gather3A_210 : vector<16xf32>
          %gather3A_212 = tpu.vector_load_idx %arg6[%add3A_131, %broadcast_in_dim3A_209] : memref<1296x16xf32, #tpu.memory_space<vmem>>[vector<16xi32>, vector<16xi32>], vector<16xf32>,
          %mul3A_213 = arith.mulf %sub3A, %gather3A_212 : vector<16xf32>
          %add3A_214 = arith.addf %mul3A_211, %mul3A_213 : vector<16xf32>
          %gather3A_215 = tpu.vector_load_idx %arg6[%add3A_137, %broadcast_in_dim3A_209] : memref<1296x16xf32, #tpu.memory_space<vmem>>[vector<16xi32>, vector<16xi32>], vector<16xf32>,
          %mul3A_216 = arith.mulf %sub3A_116, %gather3A_215 : vector<16xf32>
          %add3A_217 = arith.addf %add3A_214, %mul3A_216 : vector<16xf32>
          %gather3A_218 = tpu.vector_load_idx %arg6[%add3A_143, %broadcast_in_dim3A_209] : memref<1296x16xf32, #tpu.memory_space<vmem>>[vector<16xi32>, vector<16xi32>], vector<16xf32>,
          %mul3A_219 = arith.mulf %sub3A_117, %gather3A_218 : vector<16xf32>
          %add3A_220 = arith.addf %add3A_217, %mul3A_219 : vector<16xf32>
          %add3A_221 = arith.constant 4 : i32
          %add3A_222 = arith.addi %mul3A_35, %add3A_221 : i32
          %broadcast_in_dim3A_223 = vector.broadcast %add3A_222 : i32 to vector<16xi32>
          tpu.vector_store_idx %arg7[%add3A_47, %broadcast_in_dim3A_223], %add3A_220 : memref<256x256xf32, #tpu.memory_space<vmem>>[vector<16xi32>, vector<16xi32>], vector<16xf32>,
          %broadcast_in_dim3A_224 = arith.constant 5 : i32
          %broadcast_in_dim3A_225 = vector.broadcast %broadcast_in_dim3A_224 : i32 to vector<16xi32>
          %gather3A_226 = tpu.vector_load_idx %arg6[%add3A_125, %broadcast_in_dim3A_225] : memref<1296x16xf32, #tpu.memory_space<vmem>>[vector<16xi32>, vector<16xi32>], vector<16xf32>,
          %mul3A_227 = arith.mulf %min3A_102, %gather3A_226 : vector<16xf32>
          %gather3A_228 = tpu.vector_load_idx %arg6[%add3A_131, %broadcast_in_dim3A_225] : memref<1296x16xf32, #tpu.memory_space<vmem>>[vector<16xi32>, vector<16xi32>], vector<16xf32>,
          %mul3A_229 = arith.mulf %sub3A, %gather3A_228 : vector<16xf32>
          %add3A_230 = arith.addf %mul3A_227, %mul3A_229 : vector<16xf32>
          %gather3A_231 = tpu.vector_load_idx %arg6[%add3A_137, %broadcast_in_dim3A_225] : memref<1296x16xf32, #tpu.memory_space<vmem>>[vector<16xi32>, vector<16xi32>], vector<16xf32>,
          %mul3A_232 = arith.mulf %sub3A_116, %gather3A_231 : vector<16xf32>
          %add3A_233 = arith.addf %add3A_230, %mul3A_232 : vector<16xf32>
          %gather3A_234 = tpu.vector_load_idx %arg6[%add3A_143, %broadcast_in_dim3A_225] : memref<1296x16xf32, #tpu.memory_space<vmem>>[vector<16xi32>, vector<16xi32>], vector<16xf32>,
          %mul3A_235 = arith.mulf %sub3A_117, %gather3A_234 : vector<16xf32>
          %add3A_236 = arith.addf %add3A_233, %mul3A_235 : vector<16xf32>
          %add3A_237 = arith.constant 5 : i32
          %add3A_238 = arith.addi %mul3A_35, %add3A_237 : i32
          %broadcast_in_dim3A_239 = vector.broadcast %add3A_238 : i32 to vector<16xi32>
          tpu.vector_store_idx %arg7[%add3A_47, %broadcast_in_dim3A_239], %add3A_236 : memref<256x256xf32, #tpu.memory_space<vmem>>[vector<16xi32>, vector<16xi32>], vector<16xf32>,
          %broadcast_in_dim3A_240 = arith.constant 6 : i32
          %broadcast_in_dim3A_241 = vector.broadcast %broadcast_in_dim3A_240 : i32 to vector<16xi32>
          %gather3A_242 = tpu.vector_load_idx %arg6[%add3A_125, %broadcast_in_dim3A_241] : memref<1296x16xf32, #tpu.memory_space<vmem>>[vector<16xi32>, vector<16xi32>], vector<16xf32>,
          %mul3A_243 = arith.mulf %min3A_102, %gather3A_242 : vector<16xf32>
          %gather3A_244 = tpu.vector_load_idx %arg6[%add3A_131, %broadcast_in_dim3A_241] : memref<1296x16xf32, #tpu.memory_space<vmem>>[vector<16xi32>, vector<16xi32>], vector<16xf32>,
          %mul3A_245 = arith.mulf %sub3A, %gather3A_244 : vector<16xf32>
          %add3A_246 = arith.addf %mul3A_243, %mul3A_245 : vector<16xf32>
          %gather3A_247 = tpu.vector_load_idx %arg6[%add3A_137, %broadcast_in_dim3A_241] : memref<1296x16xf32, #tpu.memory_space<vmem>>[vector<16xi32>, vector<16xi32>], vector<16xf32>,
          %mul3A_248 = arith.mulf %sub3A_116, %gather3A_247 : vector<16xf32>
          %add3A_249 = arith.addf %add3A_246, %mul3A_248 : vector<16xf32>
          %gather3A_250 = tpu.vector_load_idx %arg6[%add3A_143, %broadcast_in_dim3A_241] : memref<1296x16xf32, #tpu.memory_space<vmem>>[vector<16xi32>, vector<16xi32>], vector<16xf32>,
          %mul3A_251 = arith.mulf %sub3A_117, %gather3A_250 : vector<16xf32>
          %add3A_252 = arith.addf %add3A_249, %mul3A_251 : vector<16xf32>
          %add3A_253 = arith.constant 6 : i32
          %add3A_254 = arith.addi %mul3A_35, %add3A_253 : i32
          %broadcast_in_dim3A_255 = vector.broadcast %add3A_254 : i32 to vector<16xi32>
          tpu.vector_store_idx %arg7[%add3A_47, %broadcast_in_dim3A_255], %add3A_252 : memref<256x256xf32, #tpu.memory_space<vmem>>[vector<16xi32>, vector<16xi32>], vector<16xf32>,
          %broadcast_in_dim3A_256 = arith.constant 7 : i32
          %broadcast_in_dim3A_257 = vector.broadcast %broadcast_in_dim3A_256 : i32 to vector<16xi32>
          %gather3A_258 = tpu.vector_load_idx %arg6[%add3A_125, %broadcast_in_dim3A_257] : memref<1296x16xf32, #tpu.memory_space<vmem>>[vector<16xi32>, vector<16xi32>], vector<16xf32>,
          %mul3A_259 = arith.mulf %min3A_102, %gather3A_258 : vector<16xf32>
          %gather3A_260 = tpu.vector_load_idx %arg6[%add3A_131, %broadcast_in_dim3A_257] : memref<1296x16xf32, #tpu.memory_space<vmem>>[vector<16xi32>, vector<16xi32>], vector<16xf32>,
          %mul3A_261 = arith.mulf %sub3A, %gather3A_260 : vector<16xf32>
          %add3A_262 = arith.addf %mul3A_259, %mul3A_261 : vector<16xf32>
          %gather3A_263 = tpu.vector_load_idx %arg6[%add3A_137, %broadcast_in_dim3A_257] : memref<1296x16xf32, #tpu.memory_space<vmem>>[vector<16xi32>, vector<16xi32>], vector<16xf32>,
          %mul3A_264 = arith.mulf %sub3A_116, %gather3A_263 : vector<16xf32>
          %add3A_265 = arith.addf %add3A_262, %mul3A_264 : vector<16xf32>
          %gather3A_266 = tpu.vector_load_idx %arg6[%add3A_143, %broadcast_in_dim3A_257] : memref<1296x16xf32, #tpu.memory_space<vmem>>[vector<16xi32>, vector<16xi32>], vector<16xf32>,
          %mul3A_267 = arith.mulf %sub3A_117, %gather3A_266 : vector<16xf32>
          %add3A_268 = arith.addf %add3A_265, %mul3A_267 : vector<16xf32>
          %add3A_269 = arith.constant 7 : i32
          %add3A_270 = arith.addi %mul3A_35, %add3A_269 : i32
          %broadcast_in_dim3A_271 = vector.broadcast %add3A_270 : i32 to vector<16xi32>
          tpu.vector_store_idx %arg7[%add3A_47, %broadcast_in_dim3A_271], %add3A_268 : memref<256x256xf32, #tpu.memory_space<vmem>>[vector<16xi32>, vector<16xi32>], vector<16xf32>,
          %broadcast_in_dim3A_272 = arith.constant 8 : i32
          %broadcast_in_dim3A_273 = vector.broadcast %broadcast_in_dim3A_272 : i32 to vector<16xi32>
          %gather3A_274 = tpu.vector_load_idx %arg6[%add3A_125, %broadcast_in_dim3A_273] : memref<1296x16xf32, #tpu.memory_space<vmem>>[vector<16xi32>, vector<16xi32>], vector<16xf32>,
          %mul3A_275 = arith.mulf %min3A_102, %gather3A_274 : vector<16xf32>
          %gather3A_276 = tpu.vector_load_idx %arg6[%add3A_131, %broadcast_in_dim3A_273] : memref<1296x16xf32, #tpu.memory_space<vmem>>[vector<16xi32>, vector<16xi32>], vector<16xf32>,
          %mul3A_277 = arith.mulf %sub3A, %gather3A_276 : vector<16xf32>
          %add3A_278 = arith.addf %mul3A_275, %mul3A_277 : vector<16xf32>
          %gather3A_279 = tpu.vector_load_idx %arg6[%add3A_137, %broadcast_in_dim3A_273] : memref<1296x16xf32, #tpu.memory_space<vmem>>[vector<16xi32>, vector<16xi32>], vector<16xf32>,
          %mul3A_280 = arith.mulf %sub3A_116, %gather3A_279 : vector<16xf32>
          %add3A_281 = arith.addf %add3A_278, %mul3A_280 : vector<16xf32>
          %gather3A_282 = tpu.vector_load_idx %arg6[%add3A_143, %broadcast_in_dim3A_273] : memref<1296x16xf32, #tpu.memory_space<vmem>>[vector<16xi32>, vector<16xi32>], vector<16xf32>,
          %mul3A_283 = arith.mulf %sub3A_117, %gather3A_282 : vector<16xf32>
          %add3A_284 = arith.addf %add3A_281, %mul3A_283 : vector<16xf32>
          %add3A_285 = arith.constant 8 : i32
          %add3A_286 = arith.addi %mul3A_35, %add3A_285 : i32
          %broadcast_in_dim3A_287 = vector.broadcast %add3A_286 : i32 to vector<16xi32>
          tpu.vector_store_idx %arg7[%add3A_47, %broadcast_in_dim3A_287], %add3A_284 : memref<256x256xf32, #tpu.memory_space<vmem>>[vector<16xi32>, vector<16xi32>], vector<16xf32>,
          %broadcast_in_dim3A_288 = arith.constant 9 : i32
          %broadcast_in_dim3A_289 = vector.broadcast %broadcast_in_dim3A_288 : i32 to vector<16xi32>
          %gather3A_290 = tpu.vector_load_idx %arg6[%add3A_125, %broadcast_in_dim3A_289] : memref<1296x16xf32, #tpu.memory_space<vmem>>[vector<16xi32>, vector<16xi32>], vector<16xf32>,
          %mul3A_291 = arith.mulf %min3A_102, %gather3A_290 : vector<16xf32>
          %gather3A_292 = tpu.vector_load_idx %arg6[%add3A_131, %broadcast_in_dim3A_289] : memref<1296x16xf32, #tpu.memory_space<vmem>>[vector<16xi32>, vector<16xi32>], vector<16xf32>,
          %mul3A_293 = arith.mulf %sub3A, %gather3A_292 : vector<16xf32>
          %add3A_294 = arith.addf %mul3A_291, %mul3A_293 : vector<16xf32>
          %gather3A_295 = tpu.vector_load_idx %arg6[%add3A_137, %broadcast_in_dim3A_289] : memref<1296x16xf32, #tpu.memory_space<vmem>>[vector<16xi32>, vector<16xi32>], vector<16xf32>,
          %mul3A_296 = arith.mulf %sub3A_116, %gather3A_295 : vector<16xf32>
          %add3A_297 = arith.addf %add3A_294, %mul3A_296 : vector<16xf32>
          %gather3A_298 = tpu.vector_load_idx %arg6[%add3A_143, %broadcast_in_dim3A_289] : memref<1296x16xf32, #tpu.memory_space<vmem>>[vector<16xi32>, vector<16xi32>], vector<16xf32>,
          %mul3A_299 = arith.mulf %sub3A_117, %gather3A_298 : vector<16xf32>
          %add3A_300 = arith.addf %add3A_297, %mul3A_299 : vector<16xf32>
          %add3A_301 = arith.constant 9 : i32
          %add3A_302 = arith.addi %mul3A_35, %add3A_301 : i32
          %broadcast_in_dim3A_303 = vector.broadcast %add3A_302 : i32 to vector<16xi32>
          tpu.vector_store_idx %arg7[%add3A_47, %broadcast_in_dim3A_303], %add3A_300 : memref<256x256xf32, #tpu.memory_space<vmem>>[vector<16xi32>, vector<16xi32>], vector<16xf32>,
          %broadcast_in_dim3A_304 = arith.constant 10 : i32
          %broadcast_in_dim3A_305 = vector.broadcast %broadcast_in_dim3A_304 : i32 to vector<16xi32>
          %gather3A_306 = tpu.vector_load_idx %arg6[%add3A_125, %broadcast_in_dim3A_305] : memref<1296x16xf32, #tpu.memory_space<vmem>>[vector<16xi32>, vector<16xi32>], vector<16xf32>,
          %mul3A_307 = arith.mulf %min3A_102, %gather3A_306 : vector<16xf32>
          %gather3A_308 = tpu.vector_load_idx %arg6[%add3A_131, %broadcast_in_dim3A_305] : memref<1296x16xf32, #tpu.memory_space<vmem>>[vector<16xi32>, vector<16xi32>], vector<16xf32>,
          %mul3A_309 = arith.mulf %sub3A, %gather3A_308 : vector<16xf32>
          %add3A_310 = arith.addf %mul3A_307, %mul3A_309 : vector<16xf32>
          %gather3A_311 = tpu.vector_load_idx %arg6[%add3A_137, %broadcast_in_dim3A_305] : memref<1296x16xf32, #tpu.memory_space<vmem>>[vector<16xi32>, vector<16xi32>], vector<16xf32>,
          %mul3A_312 = arith.mulf %sub3A_116, %gather3A_311 : vector<16xf32>
          %add3A_313 = arith.addf %add3A_310, %mul3A_312 : vector<16xf32>
          %gather3A_314 = tpu.vector_load_idx %arg6[%add3A_143, %broadcast_in_dim3A_305] : memref<1296x16xf32, #tpu.memory_space<vmem>>[vector<16xi32>, vector<16xi32>], vector<16xf32>,
          %mul3A_315 = arith.mulf %sub3A_117, %gather3A_314 : vector<16xf32>
          %add3A_316 = arith.addf %add3A_313, %mul3A_315 : vector<16xf32>
          %add3A_317 = arith.constant 10 : i32
          %add3A_318 = arith.addi %mul3A_35, %add3A_317 : i32
          %broadcast_in_dim3A_319 = vector.broadcast %add3A_318 : i32 to vector<16xi32>
          tpu.vector_store_idx %arg7[%add3A_47, %broadcast_in_dim3A_319], %add3A_316 : memref<256x256xf32, #tpu.memory_space<vmem>>[vector<16xi32>, vector<16xi32>], vector<16xf32>,
          %broadcast_in_dim3A_320 = arith.constant 11 : i32
          %broadcast_in_dim3A_321 = vector.broadcast %broadcast_in_dim3A_320 : i32 to vector<16xi32>
          %gather3A_322 = tpu.vector_load_idx %arg6[%add3A_125, %broadcast_in_dim3A_321] : memref<1296x16xf32, #tpu.memory_space<vmem>>[vector<16xi32>, vector<16xi32>], vector<16xf32>,
          %mul3A_323 = arith.mulf %min3A_102, %gather3A_322 : vector<16xf32>
          %gather3A_324 = tpu.vector_load_idx %arg6[%add3A_131, %broadcast_in_dim3A_321] : memref<1296x16xf32, #tpu.memory_space<vmem>>[vector<16xi32>, vector<16xi32>], vector<16xf32>,
          %mul3A_325 = arith.mulf %sub3A, %gather3A_324 : vector<16xf32>
          %add3A_326 = arith.addf %mul3A_323, %mul3A_325 : vector<16xf32>
          %gather3A_327 = tpu.vector_load_idx %arg6[%add3A_137, %broadcast_in_dim3A_321] : memref<1296x16xf32, #tpu.memory_space<vmem>>[vector<16xi32>, vector<16xi32>], vector<16xf32>,
          %mul3A_328 = arith.mulf %sub3A_116, %gather3A_327 : vector<16xf32>
          %add3A_329 = arith.addf %add3A_326, %mul3A_328 : vector<16xf32>
          %gather3A_330 = tpu.vector_load_idx %arg6[%add3A_143, %broadcast_in_dim3A_321] : memref<1296x16xf32, #tpu.memory_space<vmem>>[vector<16xi32>, vector<16xi32>], vector<16xf32>,
          %mul3A_331 = arith.mulf %sub3A_117, %gather3A_330 : vector<16xf32>
          %add3A_332 = arith.addf %add3A_329, %mul3A_331 : vector<16xf32>
          %add3A_333 = arith.constant 11 : i32
          %add3A_334 = arith.addi %mul3A_35, %add3A_333 : i32
          %broadcast_in_dim3A_335 = vector.broadcast %add3A_334 : i32 to vector<16xi32>
          tpu.vector_store_idx %arg7[%add3A_47, %broadcast_in_dim3A_335], %add3A_332 : memref<256x256xf32, #tpu.memory_space<vmem>>[vector<16xi32>, vector<16xi32>], vector<16xf32>,
          %broadcast_in_dim3A_336 = arith.constant 12 : i32
          %broadcast_in_dim3A_337 = vector.broadcast %broadcast_in_dim3A_336 : i32 to vector<16xi32>
          %gather3A_338 = tpu.vector_load_idx %arg6[%add3A_125, %broadcast_in_dim3A_337] : memref<1296x16xf32, #tpu.memory_space<vmem>>[vector<16xi32>, vector<16xi32>], vector<16xf32>,
          %mul3A_339 = arith.mulf %min3A_102, %gather3A_338 : vector<16xf32>
          %gather3A_340 = tpu.vector_load_idx %arg6[%add3A_131, %broadcast_in_dim3A_337] : memref<1296x16xf32, #tpu.memory_space<vmem>>[vector<16xi32>, vector<16xi32>], vector<16xf32>,
          %mul3A_341 = arith.mulf %sub3A, %gather3A_340 : vector<16xf32>
          %add3A_342 = arith.addf %mul3A_339, %mul3A_341 : vector<16xf32>
          %gather3A_343 = tpu.vector_load_idx %arg6[%add3A_137, %broadcast_in_dim3A_337] : memref<1296x16xf32, #tpu.memory_space<vmem>>[vector<16xi32>, vector<16xi32>], vector<16xf32>,
          %mul3A_344 = arith.mulf %sub3A_116, %gather3A_343 : vector<16xf32>
          %add3A_345 = arith.addf %add3A_342, %mul3A_344 : vector<16xf32>
          %gather3A_346 = tpu.vector_load_idx %arg6[%add3A_143, %broadcast_in_dim3A_337] : memref<1296x16xf32, #tpu.memory_space<vmem>>[vector<16xi32>, vector<16xi32>], vector<16xf32>,
          %mul3A_347 = arith.mulf %sub3A_117, %gather3A_346 : vector<16xf32>
          %add3A_348 = arith.addf %add3A_345, %mul3A_347 : vector<16xf32>
          %add3A_349 = arith.constant 12 : i32
          %add3A_350 = arith.addi %mul3A_35, %add3A_349 : i32
          %broadcast_in_dim3A_351 = vector.broadcast %add3A_350 : i32 to vector<16xi32>
          tpu.vector_store_idx %arg7[%add3A_47, %broadcast_in_dim3A_351], %add3A_348 : memref<256x256xf32, #tpu.memory_space<vmem>>[vector<16xi32>, vector<16xi32>], vector<16xf32>,
          %broadcast_in_dim3A_352 = arith.constant 13 : i32
          %broadcast_in_dim3A_353 = vector.broadcast %broadcast_in_dim3A_352 : i32 to vector<16xi32>
          %gather3A_354 = tpu.vector_load_idx %arg6[%add3A_125, %broadcast_in_dim3A_353] : memref<1296x16xf32, #tpu.memory_space<vmem>>[vector<16xi32>, vector<16xi32>], vector<16xf32>,
          %mul3A_355 = arith.mulf %min3A_102, %gather3A_354 : vector<16xf32>
          %gather3A_356 = tpu.vector_load_idx %arg6[%add3A_131, %broadcast_in_dim3A_353] : memref<1296x16xf32, #tpu.memory_space<vmem>>[vector<16xi32>, vector<16xi32>], vector<16xf32>,
          %mul3A_357 = arith.mulf %sub3A, %gather3A_356 : vector<16xf32>
          %add3A_358 = arith.addf %mul3A_355, %mul3A_357 : vector<16xf32>
          %gather3A_359 = tpu.vector_load_idx %arg6[%add3A_137, %broadcast_in_dim3A_353] : memref<1296x16xf32, #tpu.memory_space<vmem>>[vector<16xi32>, vector<16xi32>], vector<16xf32>,
          %mul3A_360 = arith.mulf %sub3A_116, %gather3A_359 : vector<16xf32>
          %add3A_361 = arith.addf %add3A_358, %mul3A_360 : vector<16xf32>
          %gather3A_362 = tpu.vector_load_idx %arg6[%add3A_143, %broadcast_in_dim3A_353] : memref<1296x16xf32, #tpu.memory_space<vmem>>[vector<16xi32>, vector<16xi32>], vector<16xf32>,
          %mul3A_363 = arith.mulf %sub3A_117, %gather3A_362 : vector<16xf32>
          %add3A_364 = arith.addf %add3A_361, %mul3A_363 : vector<16xf32>
          %add3A_365 = arith.constant 13 : i32
          %add3A_366 = arith.addi %mul3A_35, %add3A_365 : i32
          %broadcast_in_dim3A_367 = vector.broadcast %add3A_366 : i32 to vector<16xi32>
          tpu.vector_store_idx %arg7[%add3A_47, %broadcast_in_dim3A_367], %add3A_364 : memref<256x256xf32, #tpu.memory_space<vmem>>[vector<16xi32>, vector<16xi32>], vector<16xf32>,
          %broadcast_in_dim3A_368 = arith.constant 14 : i32
          %broadcast_in_dim3A_369 = vector.broadcast %broadcast_in_dim3A_368 : i32 to vector<16xi32>
          %gather3A_370 = tpu.vector_load_idx %arg6[%add3A_125, %broadcast_in_dim3A_369] : memref<1296x16xf32, #tpu.memory_space<vmem>>[vector<16xi32>, vector<16xi32>], vector<16xf32>,
          %mul3A_371 = arith.mulf %min3A_102, %gather3A_370 : vector<16xf32>
          %gather3A_372 = tpu.vector_load_idx %arg6[%add3A_131, %broadcast_in_dim3A_369] : memref<1296x16xf32, #tpu.memory_space<vmem>>[vector<16xi32>, vector<16xi32>], vector<16xf32>,
          %mul3A_373 = arith.mulf %sub3A, %gather3A_372 : vector<16xf32>
          %add3A_374 = arith.addf %mul3A_371, %mul3A_373 : vector<16xf32>
          %gather3A_375 = tpu.vector_load_idx %arg6[%add3A_137, %broadcast_in_dim3A_369] : memref<1296x16xf32, #tpu.memory_space<vmem>>[vector<16xi32>, vector<16xi32>], vector<16xf32>,
          %mul3A_376 = arith.mulf %sub3A_116, %gather3A_375 : vector<16xf32>
          %add3A_377 = arith.addf %add3A_374, %mul3A_376 : vector<16xf32>
          %gather3A_378 = tpu.vector_load_idx %arg6[%add3A_143, %broadcast_in_dim3A_369] : memref<1296x16xf32, #tpu.memory_space<vmem>>[vector<16xi32>, vector<16xi32>], vector<16xf32>,
          %mul3A_379 = arith.mulf %sub3A_117, %gather3A_378 : vector<16xf32>
          %add3A_380 = arith.addf %add3A_377, %mul3A_379 : vector<16xf32>
          %add3A_381 = arith.constant 14 : i32
          %add3A_382 = arith.addi %mul3A_35, %add3A_381 : i32
          %broadcast_in_dim3A_383 = vector.broadcast %add3A_382 : i32 to vector<16xi32>
          tpu.vector_store_idx %arg7[%add3A_47, %broadcast_in_dim3A_383], %add3A_380 : memref<256x256xf32, #tpu.memory_space<vmem>>[vector<16xi32>, vector<16xi32>], vector<16xf32>,
          %broadcast_in_dim3A_384 = arith.constant 15 : i32
          %broadcast_in_dim3A_385 = vector.broadcast %broadcast_in_dim3A_384 : i32 to vector<16xi32>
          %gather3A_386 = tpu.vector_load_idx %arg6[%add3A_125, %broadcast_in_dim3A_385] : memref<1296x16xf32, #tpu.memory_space<vmem>>[vector<16xi32>, vector<16xi32>], vector<16xf32>,
          %mul3A_387 = arith.mulf %min3A_102, %gather3A_386 : vector<16xf32>
          %gather3A_388 = tpu.vector_load_idx %arg6[%add3A_131, %broadcast_in_dim3A_385] : memref<1296x16xf32, #tpu.memory_space<vmem>>[vector<16xi32>, vector<16xi32>], vector<16xf32>,
          %mul3A_389 = arith.mulf %sub3A, %gather3A_388 : vector<16xf32>
          %add3A_390 = arith.addf %mul3A_387, %mul3A_389 : vector<16xf32>
          %gather3A_391 = tpu.vector_load_idx %arg6[%add3A_137, %broadcast_in_dim3A_385] : memref<1296x16xf32, #tpu.memory_space<vmem>>[vector<16xi32>, vector<16xi32>], vector<16xf32>,
          %mul3A_392 = arith.mulf %sub3A_116, %gather3A_391 : vector<16xf32>
          %add3A_393 = arith.addf %add3A_390, %mul3A_392 : vector<16xf32>
          %gather3A_394 = tpu.vector_load_idx %arg6[%add3A_143, %broadcast_in_dim3A_385] : memref<1296x16xf32, #tpu.memory_space<vmem>>[vector<16xi32>, vector<16xi32>], vector<16xf32>,
          %mul3A_395 = arith.mulf %sub3A_117, %gather3A_394 : vector<16xf32>
          %add3A_396 = arith.addf %add3A_393, %mul3A_395 : vector<16xf32>
          %add3A_397 = arith.constant 15 : i32
          %add3A_398 = arith.addi %mul3A_35, %add3A_397 : i32
          %broadcast_in_dim3A_399 = vector.broadcast %add3A_398 : i32 to vector<16xi32>
          tpu.vector_store_idx %arg7[%add3A_47, %broadcast_in_dim3A_399], %add3A_396 : memref<256x256xf32, #tpu.memory_space<vmem>>[vector<16xi32>, vector<16xi32>], vector<16xf32>,
        }
        %scan3A_40 = arith.constant 16 : i32
      }
      %scan3A_22 = arith.constant 16 : i32
      %mul3A_23 = arith.constant 256 : i32
      %mul3A_24 = arith.muli %add3A, %mul3A_23 : i32
      "tpu.region"() ({
        %run_scoped3A = tpu.sem_alloc : memref<!tpu.dma_semaphore, #tpu.memory_space<semaphore_mem>>
        %dma_start3A = tpu.memref_slice %arg4[%mul3A_15, %mul3A_24] : memref<2048x8192xf32, #tpu.memory_space<hbm>> -> memref<256x256xf32, #tpu.memory_space<hbm>>
        %dma_start3A_25 = tpu.memref_slice %arg4[%mul3A_15, %mul3A_24] : memref<2048x8192xf32, #tpu.memory_space<hbm>> -> memref<256x256xf32, #tpu.memory_space<hbm>>
        tpu.enqueue_dma source(%arg7 : memref<256x256xf32, #tpu.memory_space<vmem>>) target(%dma_start3A_25 : memref<256x256xf32, #tpu.memory_space<hbm>>) target_semaphore(%run_scoped3A : memref<!tpu.dma_semaphore, #tpu.memory_space<semaphore_mem>>)
        %dma_wait3A = tpu.memref_slice %arg4[%mul3A_15, %mul3A_24] : memref<2048x8192xf32, #tpu.memory_space<hbm>> -> memref<256x256xf32, #tpu.memory_space<hbm>>
        %dma_wait3A_26 = tpu.memref_slice %arg4[%mul3A_15, %mul3A_24] : memref<2048x8192xf32, #tpu.memory_space<hbm>> -> memref<256x256xf32, #tpu.memory_space<hbm>>
        tpu.wait_dma2 semaphore(%run_scoped3A : memref<!tpu.dma_semaphore, #tpu.memory_space<semaphore_mem>>) src(%arg7 : memref<256x256xf32, #tpu.memory_space<vmem>>) dst(%dma_wait3A_26 : memref<256x256xf32, #tpu.memory_space<hbm>>)
        tpu.yield
      }) : () -> ()
    }
    %scan3A_8 = arith.constant 8 : i32
    return
  }
}

</mosaic_0001>

<sc_bundles>
// kernel: _run.3.cloned.1.call-start
scs
__scs_entry_jumppad:
0x0: {  	(pc) =	sbr.rel $0x88, $3  }
0x1: {  	(tag) =	ssettag $0x0;
	lr =	simm.s32 $0x1  }
0x2: {  	[smem:$0x3F9F] =	sst lr;
	_ =	strace $0xD0000000  }
0x3: {  	_ = 	snop  }
0x4: {  	_ = 	snop  }
0x5: {  	_ = 	snop  }
0x6: {  	_ = 	snop  }
0x7: {  	_ = 	snop  }
__scs_overlays_trampoline_lowered:
0x8: {  	[smem:$0x3FAE] =	sst s0  }
0x9: {  	[smem:$0x3FAF] =	sst s1  }
0xa: {  	[smem:$0x3FB0] =	sst s2  }
0xb: {  	[smem:$0x3FB1] =	sst s3  }
0xc: {  	[smem:$0x3FB2] =	sst s4  }
0xd: {  	[smem:$0x3FB3] =	sst s5  }
0xe: {  	[smem:$0x3FB4] =	sst s6  }
0xf: {  	[smem:$0x3FB5] =	sst s7  }
0x10: {  	[smem:$0x3FB6] =	sst s8  }
0x11: {  	[smem:$0x3FB7] =	sst s9;
	s0 =	simm.s32 @!p0 $0x0  }
0x12: {  	s1 =	sld [smem:$0x3F9D];
	s0 =	simm.s32 @p0 $0x1  }
0x13: {  	[smem:$0x3FB8] =	sst s0;
	s0 =	simm.s32 @!p1 $0x0  }
0x14: {  	s2 =	sld [smem:$0x3F9C];
	s0 =	simm.s32 @p1 $0x1  }
0x15: {  	[smem:$0x3FB9] =	sst s0;
	s0 =	simm.s32 @!p2 $0x0  }
0x16: {  	s3 =	sld [smem:$0x3FDB];
	s0 =	simm.s32 @p2 $0x1  }
0x17: {  	s4 =	simm.s32 $0x1BF5;
	[smem:$0x3FBB] =	sst s0  }
0x18: {  	s0 =	sld [smem:$0x3F9E];
	_ =	swait.ge [sflag:s4], $0x0  }
0x19: {  	s7 =	sld [smem:$0x3F9F]  }
0x1a: {  	s8 =	sadd.s32 $0xFFFFE003, lr  }
0x1b: {  	s9 =	sadd.s32 $0xFFFFFEF7, lr;
	s5 =	simm.s32 $0xFFFFFFFF;
	p2 =	slt.u32 s8, $0xFFFFF086  }
0x1c: {  	p1 =	slt.u32 s9, $0xF7A;
	s5 =	simm.s32 @!p2 $0x0  }
0x1d: {  	s5 =	simm.s32 @p1 $0x1;
	p0 =	seq.s32 s7, s2  }
0x1e: {  	s7 =	smul.u32 @!p0 $0xF7A, s2;
	p2 =	seq.s32 @!p0 s5, $0x0  }
0x1f: {  	s9 =	smul.u32 $0xF7A, s1;
	s8 =	simm.s32 @!p0 $0x1BF5;
	p2 =	por !p2, p0  }
0x20: {  	[sflag:s8] =	ssyncset.s32 @!p0 $0xFFFFF086;
	s6 =	sadd.s32 @!p0 s3, s7;
	s7 =	simm.s32 @!p0 $0x108  }
0x21: {  	s3 =	sadd.s32 s3, s9;
	s6 =	sadd.s32 @!p0 $0x88, s6;
	s7 =	simm.s32 @p2 $0x1082  }
0x22: {  	[simem:s7], [sflag:s8] =	dma.local @!p0 [hbm:s6], $0xF7A  }
0x23: {  	s9 =	sor.u32 $0xD0000000, s2;
	s6 =	simm.s32 $0x108;
	_ =	swait.ge @!p0 [sflag:s8], $0x0  }
0x24: {  	s3 =	sadd.s32 $0x88, s3;
	s6 =	simm.s32 @!p1 $0x1082;
	[sflag:s4] =	ssyncset.s32 $0xFFFFF086  }
0x25: {  	[simem:s6], [sflag:s4] =	dma.local [hbm:s3], $0xF7A  }
0x26: {  	[smem:$0x3F9F] =	sst s1;
	(tag) =	ssettag s2;
	_ =	strace s9  }
0x27: {  	s1 =	sld [smem:$0x3FAF]  }
0x28: {  	s2 =	sld [smem:$0x3FB0]  }
0x29: {  	s4 =	sld [smem:$0x3FB2]  }
0x2a: {  	p0 =	seq.s32 s5, $0x0;
	s5 =	sld [smem:$0x3FB3]  }
0x2b: {  	s6 =	sld [smem:$0x3FB4]  }
0x2c: {  	s7 =	sld [smem:$0x3FB5]  }
0x2d: {  	s3 =	simm.s32 $0x108;
	s8 =	sld [smem:$0x3FB6]  }
0x2e: {  	s3 =	simm.s32 @!p0 $0x1082;
	s9 =	sld [smem:$0x3FB7]  }
0x2f: {  	lr =	sadd.s32 s0, s3;
	s0 =	sld [smem:$0x3FAE]  }
0x30: {  	s3 =	sld [smem:$0x3FB1]  }
0x31: {  	[smem:$0x3FBA] =	sst s10  }
0x32: {  	s10 =	sld [smem:$0x3FB8];
	_ =	sdelay $0x3  }
0x33: {  	p0 =	seq.s32 s10, $0x1;
	s10 =	sld [smem:$0x3FBA];
	_ =	sdelay $0x3  }
0x34: {  	[smem:$0x3FBA] =	sst s10  }
0x35: {  	s10 =	sld [smem:$0x3FB9];
	_ =	sdelay $0x3  }
0x36: {  	p1 =	seq.s32 s10, $0x1;
	s10 =	sld [smem:$0x3FBA];
	_ =	sdelay $0x3  }
0x37: {  	[smem:$0x3FBA] =	sst s10  }
0x38: {  	s10 =	sld [smem:$0x3FBB]  }
0x39: {  	_ = 	snop;
	(pc) =	sbr.ind lr, $3  }
0x3a: {  	_ = 	snop  }
0x3b: {  	_ = 	snop  }
0x3c: {  	p2 =	seq.s32 s10, $0x1;
	s10 =	sld [smem:$0x3FBA]  }
0x3d: {  	_ =	shalt  }
0x3e: {  	_ =	shalt  }
0x3f: {  	_ =	shalt  }
0x40: {  	_ =	shalt  }
0x41: {  	_ =	shalt  }
0x42: {  	_ =	shalt  }
0x43: {  	_ =	shalt  }
0x44: {  	_ =	shalt  }
0x45: {  	_ =	shalt  }
0x46: {  	_ =	shalt  }
0x47: {  	_ =	shalt  }
0x48: {  	_ =	shalt  }
0x49: {  	_ =	shalt  }
0x4a: {  	_ =	shalt  }
0x4b: {  	_ =	shalt  }
0x4c: {  	_ =	shalt  }
0x4d: {  	_ =	shalt  }
0x4e: {  	_ =	shalt  }
0x4f: {  	_ =	shalt  }
0x50: {  	_ =	shalt  }
0x51: {  	_ =	shalt  }
0x52: {  	_ =	shalt  }
0x53: {  	_ =	shalt  }
0x54: {  	_ =	shalt  }
0x55: {  	_ =	shalt  }
0x56: {  	_ =	shalt  }
0x57: {  	_ =	shalt  }
0x58: {  	_ =	shalt  }
0x59: {  	_ =	shalt  }
0x5a: {  	_ =	shalt  }
0x5b: {  	_ =	shalt  }
0x5c: {  	_ =	shalt  }
0x5d: {  	_ =	shalt  }
0x5e: {  	_ =	shalt  }
0x5f: {  	_ =	shalt  }
0x60: {  	_ =	shalt  }
0x61: {  	_ =	shalt  }
0x62: {  	_ =	shalt  }
0x63: {  	_ =	shalt  }
0x64: {  	_ =	shalt  }
0x65: {  	_ =	shalt  }
0x66: {  	_ =	shalt  }
0x67: {  	_ =	shalt  }
0x68: {  	_ =	shalt  }
0x69: {  	_ =	shalt  }
0x6a: {  	_ =	shalt  }
0x6b: {  	_ =	shalt  }
0x6c: {  	_ =	shalt  }
0x6d: {  	_ =	shalt  }
0x6e: {  	_ =	shalt  }
0x6f: {  	_ =	shalt  }
0x70: {  	_ =	shalt  }
0x71: {  	_ =	shalt  }
0x72: {  	_ =	shalt  }
0x73: {  	_ =	shalt  }
0x74: {  	_ =	shalt  }
0x75: {  	_ =	shalt  }
0x76: {  	_ =	shalt  }
0x77: {  	_ =	shalt  }
0x78: {  	_ =	shalt  }
0x79: {  	_ =	shalt  }
0x7a: {  	_ =	shalt  }
0x7b: {  	_ =	shalt  }
0x7c: {  	_ =	shalt  }
0x7d: {  	_ =	shalt  }
0x7e: {  	_ =	shalt  }
0x7f: {  	_ =	shalt  }
0x80: {  	_ =	shalt  }
0x81: {  	_ =	shalt  }
0x82: {  	_ =	shalt  }
0x83: {  	_ =	shalt  }
0x84: {  	_ =	shalt  }
0x85: {  	_ =	shalt  }
0x86: {  	_ =	shalt  }
0x87: {  	_ =	shalt  }
.Lfunc_end0:
.L_simem_size_0:
called_computation_lowered:
.L_overlay_start_0:
0x88: {  	s2 =	sld [smem:$0x3FD9]  }
0x89: {  	s3 =	sld [smem:$0x3FFE];
	_ =	sdelay $0x1  }
0x8a: {  	s1 =	srdreg.scid  }
0x8b: {  	s0 =	sand.u32 $0x1, s1  }
0x8c: {  	s17 =	sshll.u32 s0, $0xA;
	s2 =	sadd.s32 s3, s2  }
0x8d: {  	s2 =	sadd.s32 s2, s17  }
0x8e: {  	[smem:$0x3FC6] =	sst s2  }
0x8f: {  	_ = 	snop  }
0x90: {  	s2 =	sld [smem:$0x3FD0];
	(tm) =	ssettm $0x1  }
0x91: {  	s18 =	sld [smem:$0x3FFB];
	_ =	sdelay $0x3  }
0x92: {  	_ =	strace s18  }
0x93: {  	s3 =	sld [smem:$0x3FFC];
	_ =	sdelay $0x3  }
0x94: {  	_ =	strace s3  }
0x95: {  	s3 =	sld [smem:$0x3FFD];
	_ =	sdelay $0x3  }
0x96: {  	_ =	strace s3  }
0x97: {  	_ =	strace $0x8FFFFFFF  }
0x98: {  	s19 =	sld [smem:$0x3FDB];
	_ =	sdelay $0x1  }
0x99: {  	s4 =	simm.s32 $_scs_section_size  }
0x9a: {  	s5 =	simm.s32 $_size__tile_overlayer_lowered;
	s6 =	simm.s32 $_tile_overlayer_lowered  }
0x9b: {  	s22 =	simm.s32 $0x1BFF;
	s21 =	sshll.u32 s6, $0x1;
	s3 =	sadd.s32 s4, s19  }
0x9c: {  	s7 =	simm.s32 $0x0;
	s20 =	sshll.u32 s5, $0x1;
	s5 =	sadd.s32 s21, s3  }
0x9d: {  	[timem:s7], [sflag:s22] =	dma.local [hbm:s5], s20  }
0x9e: {  	_ =	swait.ge [sflag:s22], s20  }
0x9f: {  	s4 =	ssub.s32 $0x0, s20;
	[sflag:s22] =	ssyncset.done $0x0  }
0xa0: {  	[sflag:s22] =	ssyncadd.s32 s4;
	_ =	sdelay $0x1  }
0xa1: {  	s23 =	simm.s32 $0x1B8B  }
0xa2: {  	_ =	swait.ge [sflag:s23], $0x1  }
0xa3: {  	[sflag:s23] =	ssyncset.done $0x0  }
0xa4: {  	s25 =	simm.s32 $0x1B8E;
	s24 =	sld [smem:$0x3FFE];
	[sflag:s23] =	ssyncadd.s32 $0xFFFFFFFF  }
0xa5: {  	s26 =	simm.s32 $execute0_lowered;
	[smem:$0x3FD2] =	sst s25  }
0xa6: {  	s5 =	sshll.u32 s26, $0x1;
	_ =	strace $0x80000046;
	[dreg:$0x1] =	wrdreg $0xFFFFFFFF  }
0xa7: {  	s28 =	simm.s32 $_size_execute0_lowered;
	s3 =	sadd.s32 s3, s5;
	[dreg:$0x0] =	wrdreg $0x0  }
0xa8: {  	s5 =	sshll.u32 s28, $0x1;
	[dreg:$0x2] =	wrdreg s3  }
0xa9: {  	[dreg:$0x3] =	wrdreg s5  }
0xaa: {  	[dreg:$0x4] =	wrdreg $0xC0  }
0xab: {  	_ =	task [dreg:s7], $0x5FFFF  }
0xac: {  	[dreg:$0x1] =	wrdreg $0xFFFFFFFF  }
0xad: {  	[dreg:$0x0] =	wrdreg $0x60  }
0xae: {  	[dreg:$0x2] =	wrdreg s2  }
0xaf: {  	[dreg:$0x3] =	wrdreg s24  }
0xb0: {  	[dreg:$0x4] =	wrdreg $0x9  }
0xb1: {  	_ =	task.clear_ibuf [dreg:s7], $0x5FFFF;
	_ =	strace $0x90000046  }
0xb2: {  	s29 =	simm.s32 $0x9;
	_ =	strace $0x80000048  }
0xb3: {  	_ =	swait.ge [sflag:s29], $0x1  }
0xb4: {  	[sflag:s29] =	ssyncadd.s32 $0xFFFFFFFF  }
0xb5: {  	_ =	strace $0x90000048  }
0xb6: {  	_ =	sfence  }
0xb7: {  	s30 =	sld [smem:$0x0];
	_ =	sdelay $0x2  }
0xb8: {  	s31 =	sshll.u32 s1, $0xD;
	s1 =	sshrl.u32 s1, $0x2  }
0xb9: {  	s3 =	sand.u32 $0x4000, s31;
	s1 =	sadd.s32 s1, s30  }
0xba: {  	s0 =	sor.u32 s3, s0;
	s1 =	sshll.u32 s1, $0x11  }
0xbb: {  	s0 =	sor.u32 s1, s0  }
0xbc: {  	s0 =	sadd.s32 $0x8F2B, s0  }
0xbd: {  	[sflag:s0] =	ssyncadd.remote.s32 $0x1  }
0xbe: {  	_ =	sfence.sel $0xFFFF  }
0xbf: {  	[dreg:$0x0] =	wrdreg $0xFFFFFFFF;
	(pc) =	sbr.abs _section_cstart, $3  }
0xc0: {  	[dreg:$0x1] =	wrdreg $0xFFFFFFFF  }
0xc1: {  	_ =	task.clear_ibuf [dreg:s7], $0x2FFFF;
	_ =	strace $0x9FFFFFFF  }
0xc2: {  	(tm) =	ssettm $0x7FFFFFFF  }
0xc3: {  	_ =	shalt  }
tec
execute0_lowered:
.L_overlay_start_1:
0x0: {  	(tag) =	ssettag $0x1  }
0x1: {  	s4 =	rddreg [dreg:$0x0];
	s1 =	srdreg.scid  }
0x2: {  	s0 =	stileid.u32;
	s3 =	rddreg [dreg:$0x1]  }
0x3: {  	s2 =	simm.s32 $0x0;
	s10 =	simm.s32 $0x800;
	s11 =	simm.s32 $0x9100  }
0x4: {  	s12 =	simm.s32 $0x100;
	s13 =	simm.s32 $0x2000;
	s14 =	simm.s32 $0x0  }
0x5: {  	s5 =	sand.u32 $0x1, s1;
	s6 =	sshll.u32 s0, $0x1;
	[smem:$0x7FF] =	sst s2  }
0x6: {  	s1 =	rddreg [dreg:$0x2];
	s6 =	sor.u32 s5, s6;
	_ =	strace $0x80000047  }
0x7: {  	s5 =	ssub.s32 $0x2, s5;
	s7 =	smul.u32 $0xA20, s6;
	s8 =	sshll.u32 s6, $0x5  }
0x8: {  	s9 =	sshrl.u32 s5, $0x1;
	s31 =	sshll.u32 s6, $0x3;
	s8 =	sadd.s32 s8, s3  }
0x9: {  	v0 =	vimm.s32 $0x0;
	vm0 =	vcmask $0x300;
	s9 =	ssub.s32 s5, s9;
	s4 =	sadd.s32 s4, s31;
	s7 =	sadd.s32 s7, s3  }
0xa: {  	v1 =	vlaneseq.u32;
	v2 =	vimm.f32 $-1.000000000e+00;
	v3 =	vimm.f32 $-3.000000000e+00;
	s5 =	sadd.s32 $0x14A00, s8;
	s6 =	smax.u32 s9, $0x1;
	s8 =	simm.s32 $0x1  }
0xb: {  	v4 =	vimm.f32 $-9.000000000e+00;
	v5 =	vimm.f32 $-2.700000000e+01;
	v0 =	vsel vm0, $0x3, v0;
	s9 =	simm.s32 $0x40;
	s3 =	sadd.s32 $0x600, s7;
	s7 =	simm.s32 $0x4000  }
.LBB2_1:
0xc: {  	[tilespmem:s7], [sflag:$0x1] =	stream.linear.gather [hbm4b:s3+s2], $0x5100, $0x38;
	[tilespmem:$0x19100] =	vst v63  }
0xd: {  	_ =	swait.ge [sflag:s8], $0x5100  }
0xe: {  	[sflag:s8] =	ssyncset.done $0x0  }
0xf: {  	s15 =	simm.s32 $0x0;
	[sflag:s8] =	ssyncadd.s32 $0xFFFFAF00  }
.LBB2_2:
0x10: {  	s16 =	sshll.u32 s15, $0x10  }
0x11: {  	s17 =	sadd.s32 s16, s4;
	s16 =	simm.s32 $0x0  }
0x12: {  	[tilespmem:s16], [sflag:$0x1] =	stream.strided.gather [hbm4b:s17+s9], $0x4000, s10, s9, $0x38;
	[tilespmem:$0x19100] =	vst v63  }
0x13: {  	_ =	swait.ge [sflag:s8], $0x4000  }
0x14: {  	[sflag:s8] =	ssyncset.done $0x0  }
0x15: {  	s17 =	simm.s32 $0x0;
	[sflag:s8] =	ssyncadd.s32 $0xFFFFC000  }
.LBB2_3:
0x16: {  	s18 =	sshll.u32 s17, $0x2  }
0x17: {  	v11 =	vor.u32 s16, v1;
	v6 =	vmov s18;
	s19 =	sor.u32 $0x1, s18;
	s18 =	sor.u32 $0x2, s18  }
0x18: {  	v6 =	vand.u32 $0x3C, v6;
	v7 =	vmov s19;
	v8 =	vmov s18  }
0x19: {  	s21 =	sshllo.u32 s17, $0x2;
	v6 =	vbroadcast v6, $0x0;
	v9 =	vand.u32 $0x3D, v7;
	v7 =	vand.u32 $0x3E, v8  }
0x1a: {  	v10 =	vmov s21;
	v12 =	vshll.u32 v11, $0x6;
	v7 =	vbroadcast v7, $0x0  }
0x1b: {  	v8 =	vbroadcast v9, $0x0;
	v9 =	vand.u32 $0x3F, v10;
	v10 =	vor.u32 v6, v12  }
0x1c: {  	v9 =	vbroadcast v9, $0x0;
	v13 =	vor.u32 v7, v12  }
0x1d: {  	v14 =	vor.u32 v8, v12  }
0x1e: {  	v12 =	vor.u32 v9, v12;
	_ =	sdelay $0x1  }
0x1f: {  	v10 =	vld.idx.msk [tilespmem:v10+s2+$0x0], $0xffff  }
0x20: {  	v13 =	vld.idx.msk [tilespmem:v13+s2+$0x0], $0xffff  }
0x21: {  	v14 =	vld.idx.msk [tilespmem:v14+s2+$0x0], $0xffff  }
0x22: {  	v12 =	vld.idx.msk [tilespmem:v12+s2+$0x0], $0xffff;
	_ =	sdelay $0x1  }
0x23: {  	v15 =	vand.u32 $0x7FFFFFFF, v10;
	vm0 =	vge.f32 v10, $0.0e+00  }
0x24: {  	v10 =	vsel vm0, $0x3F800000, v2;
	v16 =	vand.u32 $0x7FFFFFFF, v13;
	vm11 =	vge.f32 v13, $0.0e+00  }
0x25: {  	v13 =	vand.u32 $0x7FFFFFFF, v14;
	vm1 =	vge.f32 v14, $0.0e+00;
	v14 =	vsel vm11, $0x41100000, v4  }
0x26: {  	v17 =	vand.u32 $0x7FFFFFFF, v12;
	vm12 =	vge.f32 v12, $0.0e+00;
	v12 =	vmin.f32 v15, v13  }
0x27: {  	v19 =	vmax.f32 v15, v13;
	vm2 =	vle.f32 v15, v13;
	v18 =	vsel vm12, $0x41D80000, v5  }
0x28: {  	vm13 =	vle.f32 v16, v17;
	v13 =	vmax.f32 v16, v17;
	v16 =	vmin.f32 v16, v17  }
0x29: {  	v17 =	vsel vm1, $0x40400000, v3;
	v15 =	vsel vm13, v14, v18;
	vm3 =	vle.f32 v19, v13  }
0x2a: {  	v23 =	vmin.f32 v19, v13;
	vm14 =	vle.f32 v12, v16;
	v24 =	vmax.f32 v12, v16  }
0x2b: {  	v20 =	vsel vm2, v10, v17;
	v10 =	vsel vm2, v17, v10;
	v14 =	vsel vm13, v18, v14  }
0x2c: {  	vm15 =	vle.f32 v23, v24;
	v17 =	vsel vm14, v15, v20;
	v18 =	vsel vm3, v10, v14  }
0x2d: {  	v14 =	vsel vm3, v14, v10;
	v10 =	vsel vm15, v17, v18  }
0x2e: {  	v10 =	vadd.f32 v10, v14  }
0x2f: {  	v17 =	vsel vm15, v18, v17  }
0x30: {  	v17 =	vadd.f32 v10, v17  }
0x31: {  	v15 =	vsel vm14, v20, v15  }
0x32: {  	v15 =	vadd.f32 v17, v15  }
0x33: {  	v17 =	vadd.f32 $4.000000000e+01, v17  }
0x34: {  	v15 =	vadd.f32 $4.000000000e+01, v15  }
0x35: {  	s22 =	smul.u32 $0x51, s17;
	v17 =	vtrunc.f32 v17  }
0x36: {  	v18 =	vadd.f32 $4.000000000e+01, v10;
	v17 =	vcvt.f32.s32 v17;
	v15 =	vtrunc.f32 v15  }
0x37: {  	v10 =	vmov s22;
	v15 =	vcvt.f32.s32 v15  }
0x38: {  	v14 =	vadd.f32 $4.000000000e+01, v14;
	v18 =	vtrunc.f32 v18;
	v17 =	vadd.s32 v17, v10  }
0x39: {  	v18 =	vcvt.f32.s32 v18;
	v22 =	vshll.u32 v17, $0x4;
	v15 =	vadd.s32 v15, v10  }
0x3a: {  	v14 =	vtrunc.f32 v14;
	v25 =	vshll.u32 v15, $0x4  }
0x3b: {  	v14 =	vcvt.f32.s32 v14;
	v15 =	vadd.s32 v18, v10  }
0x3c: {  	v18 =	vshll.u32 v15, $0x4  }
0x3d: {  	v14 =	vadd.s32 v14, v10  }
0x3e: {  	v17 =	vshll.u32 v14, $0x4;
	v14 =	vld.idx.msk [tilespmem:v22+s7+$0x0], $0xffff  }
0x3f: {  	v15 =	vld.idx.msk [tilespmem:v25+s7+$0x0], $0xffff  }
0x40: {  	s23 =	sshll.u32 s17, $0x4  }
0x41: {  	v21 =	vmov s23;
	v26 =	vmin.f32 v23, v24;
	v20 =	vmin.f32 v12, v16;
	v28 =	vld.idx.msk [tilespmem:v18+s7+$0x0], $0xffff  }
0x42: {  	v12 =	vshrl.u32 v21, $0x3;
	v21 =	vsub.f32 v26, v20  }
0x43: {  	v16 =	vmax.f32 v23, v24;
	v27 =	vshll.u32 v12, v0;
	v29 =	vld.idx.msk [tilespmem:v17+s7+$0x0], $0xffff  }
0x44: {  	v23 =	vsub.f32 v16, v26;
	v14 =	vmul.f32 v21, v14;
	v15 =	vmul.f32 v20, v15  }
0x45: {  	v11 =	vshll.u32 v11, $0x8;
	v13 =	vmax.f32 v19, v13;
	v12 =	vbroadcast v27, $0x0  }
0x46: {  	v24 =	vsub.f32 v13, v16;
	v13 =	vadd.f32 v14, v15;
	v14 =	vmul.f32 v23, v28  }
0x47: {  	v15 =	vor.u32 v12, v11  }
0x48: {  	v16 =	vor.u32 $0x1, v25;
	v13 =	vadd.f32 v13, v14;
	v14 =	vmul.f32 v24, v29  }
0x49: {  	v19 =	vor.u32 $0x1, v22  }
0x4a: {  	v13 =	vadd.f32 v13, v14  }
0x4b: {  	v14 =	vor.u32 $0x1, v18  }
0x4c: {  	[tilespmem:v15+s11+$0x0] =	vst.idx.msk $0xffff, v13  }
0x4d: {  	v15 =	vor.u32 $0x1, v17;
	v13 =	vld.idx.msk [tilespmem:v16+s7+$0x0], $0xffff  }
0x4e: {  	v16 =	vld.idx.msk [tilespmem:v19+s7+$0x0], $0xffff;
	_ =	sdelay $0x1  }
0x4f: {  	v14 =	vld.idx.msk [tilespmem:v14+s7+$0x0], $0xffff;
	_ =	sdelay $0x1  }
0x50: {  	v15 =	vld.idx.msk [tilespmem:v15+s7+$0x0], $0xffff  }
0x51: {  	v19 =	vor.u32 $0x1, v27;
	v26 =	vmul.f32 v13, v20;
	v16 =	vmul.f32 v16, v21  }
0x52: {  	v13 =	vbroadcast v19, $0x0  }
0x53: {  	v16 =	vadd.f32 v16, v26;
	v14 =	vmul.f32 v14, v23  }
0x54: {  	v19 =	vadd.s32 v13, v11  }
0x55: {  	v14 =	vadd.f32 v14, v16;
	v15 =	vmul.f32 v15, v24;
	v16 =	vor.u32 $0x2, v25  }
0x56: {  	v26 =	vor.u32 $0x2, v22  }
0x57: {  	v14 =	vadd.f32 v15, v14  }
0x58: {  	v15 =	vor.u32 $0x2, v18  }
0x59: {  	[tilespmem:v19+s11+$0x0] =	vst.idx.msk $0xffff, v14  }
0x5a: {  	v14 =	vor.u32 $0x2, v17;
	v16 =	vld.idx.msk [tilespmem:v16+s7+$0x0], $0xffff  }
0x5b: {  	v19 =	vld.idx.msk [tilespmem:v26+s7+$0x0], $0xffff;
	_ =	sdelay $0x1  }
0x5c: {  	v15 =	vld.idx.msk [tilespmem:v15+s7+$0x0], $0xffff;
	_ =	sdelay $0x1  }
0x5d: {  	v26 =	vld.idx.msk [tilespmem:v14+s7+$0x0], $0xffff  }
0x5e: {  	v14 =	vadd.s32 $0x2, v27;
	v16 =	vmul.f32 v16, v20;
	v19 =	vmul.f32 v19, v21  }
0x5f: {  	v14 =	vbroadcast v14, $0x0  }
0x60: {  	v16 =	vadd.f32 v19, v16;
	v15 =	vmul.f32 v15, v23  }
0x61: {  	v19 =	vadd.s32 v14, v11  }
0x62: {  	v15 =	vadd.f32 v15, v16;
	v16 =	vmul.f32 v26, v24;
	v26 =	vor.u32 $0x3, v25  }
0x63: {  	v28 =	vor.u32 $0x3, v22  }
0x64: {  	v15 =	vadd.f32 v16, v15  }
0x65: {  	v16 =	vor.u32 $0x3, v18  }
0x66: {  	[tilespmem:v19+s11+$0x0] =	vst.idx.msk $0xffff, v15  }
0x67: {  	v15 =	vor.u32 $0x3, v17;
	v19 =	vld.idx.msk [tilespmem:v26+s7+$0x0], $0xffff  }
0x68: {  	v26 =	vld.idx.msk [tilespmem:v28+s7+$0x0], $0xffff;
	_ =	sdelay $0x1  }
0x69: {  	v16 =	vld.idx.msk [tilespmem:v16+s7+$0x0], $0xffff;
	_ =	sdelay $0x1  }
0x6a: {  	v28 =	vld.idx.msk [tilespmem:v15+s7+$0x0], $0xffff  }
0x6b: {  	v15 =	vadd.s32 $0x3, v27;
	v19 =	vmul.f32 v19, v20;
	v26 =	vmul.f32 v26, v21  }
0x6c: {  	v15 =	vbroadcast v15, $0x0  }
0x6d: {  	v19 =	vadd.f32 v26, v19;
	v16 =	vmul.f32 v16, v23  }
0x6e: {  	v26 =	vadd.s32 v15, v11  }
0x6f: {  	v16 =	vadd.f32 v16, v19;
	v19 =	vmul.f32 v28, v24;
	v28 =	vor.u32 $0x4, v25  }
0x70: {  	v29 =	vor.u32 $0x4, v22  }
0x71: {  	v16 =	vadd.f32 v19, v16  }
0x72: {  	v19 =	vor.u32 $0x4, v18  }
0x73: {  	[tilespmem:v26+s11+$0x0] =	vst.idx.msk $0xffff, v16  }
0x74: {  	v16 =	vor.u32 $0x4, v17;
	v26 =	vld.idx.msk [tilespmem:v28+s7+$0x0], $0xffff  }
0x75: {  	v28 =	vld.idx.msk [tilespmem:v29+s7+$0x0], $0xffff;
	_ =	sdelay $0x1  }
0x76: {  	v19 =	vld.idx.msk [tilespmem:v19+s7+$0x0], $0xffff;
	_ =	sdelay $0x1  }
0x77: {  	v29 =	vld.idx.msk [tilespmem:v16+s7+$0x0], $0xffff  }
0x78: {  	v16 =	vadd.s32 $0x4, v27;
	v26 =	vmul.f32 v26, v20;
	v28 =	vmul.f32 v28, v21  }
0x79: {  	v16 =	vbroadcast v16, $0x0  }
0x7a: {  	v26 =	vadd.f32 v28, v26;
	v19 =	vmul.f32 v19, v23  }
0x7b: {  	v28 =	vadd.s32 v16, v11  }
0x7c: {  	v19 =	vadd.f32 v19, v26;
	v26 =	vmul.f32 v29, v24;
	v29 =	vor.u32 $0x5, v25  }
0x7d: {  	v30 =	vor.u32 $0x5, v22  }
0x7e: {  	v19 =	vadd.f32 v26, v19  }
0x7f: {  	v26 =	vor.u32 $0x5, v18  }
0x80: {  	[tilespmem:v28+s11+$0x0] =	vst.idx.msk $0xffff, v19  }
0x81: {  	v19 =	vor.u32 $0x5, v17;
	v28 =	vld.idx.msk [tilespmem:v29+s7+$0x0], $0xffff  }
0x82: {  	v29 =	vld.idx.msk [tilespmem:v30+s7+$0x0], $0xffff;
	_ =	sdelay $0x1  }
0x83: {  	v26 =	vld.idx.msk [tilespmem:v26+s7+$0x0], $0xffff;
	_ =	sdelay $0x1  }
0x84: {  	v30 =	vld.idx.msk [tilespmem:v19+s7+$0x0], $0xffff  }
0x85: {  	v19 =	vadd.s32 $0x5, v27;
	v28 =	vmul.f32 v28, v20;
	v29 =	vmul.f32 v29, v21  }
0x86: {  	v19 =	vbroadcast v19, $0x0  }
0x87: {  	v28 =	vadd.f32 v29, v28;
	v26 =	vmul.f32 v26, v23  }
0x88: {  	v29 =	vadd.s32 v19, v11  }
0x89: {  	v26 =	vadd.f32 v26, v28;
	v28 =	vmul.f32 v30, v24;
	v30 =	vor.u32 $0x6, v25  }
0x8a: {  	v31 =	vor.u32 $0x6, v22  }
0x8b: {  	v26 =	vadd.f32 v28, v26  }
0x8c: {  	v28 =	vor.u32 $0x6, v18  }
0x8d: {  	[tilespmem:v29+s11+$0x0] =	vst.idx.msk $0xffff, v26  }
0x8e: {  	v29 =	vor.u32 $0x6, v17;
	v26 =	vld.idx.msk [tilespmem:v30+s7+$0x0], $0xffff  }
0x8f: {  	v30 =	vld.idx.msk [tilespmem:v31+s7+$0x0], $0xffff;
	_ =	sdelay $0x1  }
0x90: {  	v28 =	vld.idx.msk [tilespmem:v28+s7+$0x0], $0xffff;
	_ =	sdelay $0x1  }
0x91: {  	v29 =	vld.idx.msk [tilespmem:v29+s7+$0x0], $0xffff  }
0x92: {  	v31 =	vadd.s32 $0x6, v27;
	v32 =	vmul.f32 v26, v20;
	v30 =	vmul.f32 v30, v21  }
0x93: {  	v26 =	vbroadcast v31, $0x0  }
0x94: {  	v30 =	vadd.f32 v30, v32;
	v28 =	vmul.f32 v28, v23  }
0x95: {  	v31 =	vadd.s32 v26, v11  }
0x96: {  	v28 =	vadd.f32 v28, v30;
	v29 =	vmul.f32 v29, v24;
	v30 =	vor.u32 $0x7, v25  }
0x97: {  	v45 =	vor.u32 $0x7, v22  }
0x98: {  	v28 =	vadd.f32 v29, v28  }
0x99: {  	v29 =	vor.u32 $0x7, v18  }
0x9a: {  	[tilespmem:v31+s11+$0x0] =	vst.idx.msk $0xffff, v28  }
0x9b: {  	v28 =	vld.idx.msk [tilespmem:v30+s7+$0x0], $0xffff;
	v30 =	vor.u32 $0x7, v17  }
0x9c: {  	v31 =	vld.idx.msk [tilespmem:v45+s7+$0x0], $0xffff;
	_ =	sdelay $0x1  }
0x9d: {  	v29 =	vld.idx.msk [tilespmem:v29+s7+$0x0], $0xffff;
	_ =	sdelay $0x1  }
0x9e: {  	v30 =	vld.idx.msk [tilespmem:v30+s7+$0x0], $0xffff  }
0x9f: {  	v27 =	vadd.s32 $0x7, v27;
	v28 =	vmul.f32 v28, v20;
	v31 =	vmul.f32 v31, v21  }
0xa0: {  	v27 =	vbroadcast v27, $0x0  }
0xa1: {  	v28 =	vadd.f32 v31, v28;
	v29 =	vmul.f32 v29, v23  }
0xa2: {  	v31 =	vadd.s32 v27, v11  }
0xa3: {  	v28 =	vadd.f32 v29, v28;
	v29 =	vmul.f32 v30, v24;
	v30 =	vor.u32 $0x8, v22  }
0xa4: {  	v46 =	vor.u32 $0x8, v25  }
0xa5: {  	v28 =	vadd.f32 v29, v28  }
0xa6: {  	v29 =	vor.u32 $0x8, v18  }
0xa7: {  	[tilespmem:v31+s11+$0x0] =	vst.idx.msk $0xffff, v28  }
0xa8: {  	v28 =	vld.idx.msk [tilespmem:v30+s7+$0x0], $0xffff;
	v30 =	vor.u32 $0x8, v17  }
0xa9: {  	v31 =	vld.idx.msk [tilespmem:v46+s7+$0x0], $0xffff;
	_ =	sdelay $0x1  }
0xaa: {  	s24 =	sor.u32 $0x8, s23;
	v29 =	vld.idx.msk [tilespmem:v29+s7+$0x0], $0xffff  }
0xab: {  	v47 =	vmov s24  }
0xac: {  	v32 =	vshrl.u32 v47, $0x3;
	v30 =	vld.idx.msk [tilespmem:v30+s7+$0x0], $0xffff  }
0xad: {  	v32 =	vshll.u32 v32, v0;
	v33 =	vmul.f32 v28, v21;
	v31 =	vmul.f32 v31, v20  }
0xae: {  	v28 =	vbroadcast v32, $0x0  }
0xaf: {  	v31 =	vadd.f32 v33, v31;
	v29 =	vmul.f32 v29, v23  }
0xb0: {  	v32 =	vadd.s32 v28, v11  }
0xb1: {  	v29 =	vadd.f32 v29, v31;
	v31 =	vor.u32 $0x9, v25;
	v30 =	vmul.f32 v30, v24  }
0xb2: {  	v48 =	vor.u32 $0x9, v22  }
0xb3: {  	v29 =	vadd.f32 v30, v29  }
0xb4: {  	v30 =	vor.u32 $0x9, v18  }
0xb5: {  	[tilespmem:v32+s11+$0x0] =	vst.idx.msk $0xffff, v29  }
0xb6: {  	v29 =	vor.u32 $0x9, v17;
	v31 =	vld.idx.msk [tilespmem:v31+s7+$0x0], $0xffff  }
0xb7: {  	v32 =	vld.idx.msk [tilespmem:v48+s7+$0x0], $0xffff  }
0xb8: {  	s25 =	sor.u32 $0x9, s23  }
0xb9: {  	v49 =	vmov s25;
	v30 =	vld.idx.msk [tilespmem:v30+s7+$0x0], $0xffff  }
0xba: {  	v33 =	vshrl.u32 v49, $0x3  }
0xbb: {  	v33 =	vshll.u32 v33, v0;
	v34 =	vld.idx.msk [tilespmem:v29+s7+$0x0], $0xffff  }
0xbc: {  	v29 =	vadd.s32 $0x1, v33;
	v31 =	vmul.f32 v31, v20;
	v32 =	vmul.f32 v32, v21  }
0xbd: {  	v29 =	vbroadcast v29, $0x0  }
0xbe: {  	v31 =	vadd.f32 v32, v31;
	v30 =	vmul.f32 v30, v23  }
0xbf: {  	v50 =	vadd.s32 v29, v11  }
0xc0: {  	v51 =	vor.u32 $0xA, v25;
	v30 =	vadd.f32 v30, v31;
	v31 =	vmul.f32 v34, v24  }
0xc1: {  	v52 =	vor.u32 $0xA, v22  }
0xc2: {  	v30 =	vadd.f32 v31, v30  }
0xc3: {  	v31 =	vor.u32 $0xA, v18  }
0xc4: {  	[tilespmem:v50+s11+$0x0] =	vst.idx.msk $0xffff, v30  }
0xc5: {  	v30 =	vor.u32 $0xA, v17;
	v32 =	vld.idx.msk [tilespmem:v51+s7+$0x0], $0xffff  }
0xc6: {  	v53 =	vld.idx.msk [tilespmem:v52+s7+$0x0], $0xffff  }
0xc7: {  	s26 =	sor.u32 $0xA, s23  }
0xc8: {  	v54 =	vmov s26;
	v31 =	vld.idx.msk [tilespmem:v31+s7+$0x0], $0xffff  }
0xc9: {  	v34 =	vshrl.u32 v54, $0x3  }
0xca: {  	v34 =	vshll.u32 v34, v0;
	v35 =	vld.idx.msk [tilespmem:v30+s7+$0x0], $0xffff  }
0xcb: {  	v30 =	vadd.s32 $0x2, v34;
	v32 =	vmul.f32 v32, v20;
	v33 =	vmul.f32 v53, v21  }
0xcc: {  	v30 =	vbroadcast v30, $0x0  }
0xcd: {  	v32 =	vadd.f32 v33, v32;
	v31 =	vmul.f32 v31, v23  }
0xce: {  	v55 =	vadd.s32 v30, v11  }
0xcf: {  	v57 =	vor.u32 $0xB, v25;
	v31 =	vadd.f32 v31, v32;
	v56 =	vmul.f32 v35, v24  }
0xd0: {  	v58 =	vor.u32 $0xB, v22  }
0xd1: {  	v31 =	vadd.f32 v56, v31  }
0xd2: {  	v59 =	vor.u32 $0xB, v18  }
0xd3: {  	[tilespmem:v55+s11+$0x0] =	vst.idx.msk $0xffff, v31  }
0xd4: {  	v31 =	vor.u32 $0xB, v17;
	v33 =	vld.idx.msk [tilespmem:v57+s7+$0x0], $0xffff  }
0xd5: {  	v60 =	vld.idx.msk [tilespmem:v58+s7+$0x0], $0xffff  }
0xd6: {  	s28 =	sor.u32 $0xB, s23  }
0xd7: {  	v61 =	vmov s28;
	v32 =	vld.idx.msk [tilespmem:v59+s7+$0x0], $0xffff  }
0xd8: {  	v35 =	vshrl.u32 v61, $0x3  }
0xd9: {  	v35 =	vshll.u32 v35, v0;
	v36 =	vld.idx.msk [tilespmem:v31+s7+$0x0], $0xffff  }
0xda: {  	v31 =	vadd.s32 $0x3, v35;
	v33 =	vmul.f32 v33, v20;
	v34 =	vmul.f32 v60, v21  }
0xdb: {  	v31 =	vbroadcast v31, $0x0  }
0xdc: {  	v32 =	vmul.f32 v32, v23;
	v33 =	vadd.f32 v34, v33  }
0xdd: {  	v62 =	vadd.s32 v31, v11  }
0xde: {  	v40 =	vor.u32 $0xC, v25;
	v32 =	vadd.f32 v32, v33;
	v63 =	vmul.f32 v36, v24  }
0xdf: {  	v41 =	vor.u32 $0xC, v22  }
0xe0: {  	v32 =	vadd.f32 v63, v32  }
0xe1: {  	v42 =	vor.u32 $0xC, v18  }
0xe2: {  	[tilespmem:v62+s11+$0x0] =	vst.idx.msk $0xffff, v32  }
0xe3: {  	v43 =	vor.u32 $0xC, v17;
	v34 =	vld.idx.msk [tilespmem:v40+s7+$0x0], $0xffff  }
0xe4: {  	v44 =	vld.idx.msk [tilespmem:v41+s7+$0x0], $0xffff  }
0xe5: {  	s29 =	sor.u32 $0xC, s23  }
0xe6: {  	v45 =	vmov s29;
	v33 =	vld.idx.msk [tilespmem:v42+s7+$0x0], $0xffff  }
0xe7: {  	v36 =	vshrl.u32 v45, $0x3  }
0xe8: {  	v36 =	vshll.u32 v36, v0;
	v37 =	vld.idx.msk [tilespmem:v43+s7+$0x0], $0xffff  }
0xe9: {  	v46 =	vadd.s32 $0x4, v36;
	v34 =	vmul.f32 v34, v20;
	v35 =	vmul.f32 v44, v21  }
0xea: {  	v32 =	vbroadcast v46, $0x0  }
0xeb: {  	v33 =	vmul.f32 v33, v23;
	v34 =	vadd.f32 v35, v34  }
0xec: {  	v47 =	vadd.s32 v32, v11  }
0xed: {  	v49 =	vor.u32 $0xD, v25;
	v48 =	vmul.f32 v37, v24;
	v33 =	vadd.f32 v33, v34  }
0xee: {  	v50 =	vor.u32 $0xD, v22  }
0xef: {  	v33 =	vadd.f32 v48, v33  }
0xf0: {  	v51 =	vor.u32 $0xD, v18  }
0xf1: {  	[tilespmem:v47+s11+$0x0] =	vst.idx.msk $0xffff, v33  }
0xf2: {  	v52 =	vor.u32 $0xD, v17;
	v35 =	vld.idx.msk [tilespmem:v49+s7+$0x0], $0xffff  }
0xf3: {  	v53 =	vld.idx.msk [tilespmem:v50+s7+$0x0], $0xffff  }
0xf4: {  	s30 =	sor.u32 $0xD, s23  }
0xf5: {  	v54 =	vmov s30;
	v34 =	vld.idx.msk [tilespmem:v51+s7+$0x0], $0xffff  }
0xf6: {  	v37 =	vshrl.u32 v54, $0x3  }
0xf7: {  	v37 =	vshll.u32 v37, v0;
	v38 =	vld.idx.msk [tilespmem:v52+s7+$0x0], $0xffff  }
0xf8: {  	v55 =	vadd.s32 $0x5, v37;
	v35 =	vmul.f32 v35, v20;
	v36 =	vmul.f32 v53, v21  }
0xf9: {  	v33 =	vbroadcast v55, $0x0  }
0xfa: {  	v34 =	vmul.f32 v34, v23;
	v35 =	vadd.f32 v36, v35  }
0xfb: {  	v56 =	vadd.s32 v33, v11  }
0xfc: {  	v58 =	vor.u32 $0xE, v25;
	v57 =	vmul.f32 v38, v24;
	v34 =	vadd.f32 v34, v35  }
0xfd: {  	v59 =	vor.u32 $0xE, v22  }
0xfe: {  	v34 =	vadd.f32 v57, v34  }
0xff: {  	v60 =	vor.u32 $0xE, v18  }
0x100: {  	[tilespmem:v56+s11+$0x0] =	vst.idx.msk $0xffff, v34  }
0x101: {  	s31 =	sshllo.u32 s17, $0x4;
	s18 =	sor.u32 $0xE, s23;
	v40 =	vor.u32 $0xE, v17;
	v39 =	vld.idx.msk [tilespmem:v58+s7+$0x0], $0xffff  }
0x102: {  	v61 =	vmov s18;
	v62 =	vmov s31;
	v41 =	vld.idx.msk [tilespmem:v59+s7+$0x0], $0xffff  }
0x103: {  	v35 =	vshrl.u32 v62, $0x3;
	v34 =	vshrl.u32 v61, $0x3  }
0x104: {  	v35 =	vshll.u32 v35, v0;
	v34 =	vshll.u32 v34, v0;
	v37 =	vld.idx.msk [tilespmem:v60+s7+$0x0], $0xffff  }
0x105: {  	v63 =	vadd.s32 $0x7, v35;
	v34 =	vadd.s32 $0x6, v34  }
0x106: {  	v36 =	vld.idx.msk [tilespmem:v40+s7+$0x0], $0xffff;
	v35 =	vbroadcast v34, $0x0;
	v34 =	vbroadcast v63, $0x0  }
0x107: {  	s18 =	simm.s32 $0x10;
	v38 =	vmul.f32 v39, v20;
	v39 =	vmul.f32 v41, v21  }
.LBB2_4:
0x108: {  	p0 =	sne.s32 s18, $0xF0;
	s19 =	smov.u32 s18;
	s18 =	sadd.s32 $0x10, s18  }
0x109: {  	v37 =	vmul.f32 v37, v23;
	v38 =	vadd.f32 v39, v38  }
0x10a: {  	v22 =	vor.u32 $0xF, v22;
	v39 =	vadd.s32 v35, v11  }
0x10b: {  	v36 =	vmul.f32 v36, v24;
	v25 =	vor.u32 $0xF, v25;
	v37 =	vadd.f32 v37, v38;
	_ =	sdelay $0x1  }
0x10c: {  	v18 =	vor.u32 $0xF, v18;
	v36 =	vadd.f32 v36, v37  }
0x10d: {  	v17 =	vor.u32 $0xF, v17  }
0x10e: {  	[tilespmem:v39+s11+$0x0] =	vst.idx.msk $0xffff, v36  }
0x10f: {  	v25 =	vld.idx.msk [tilespmem:v25+s7+$0x0], $0xffff  }
0x110: {  	v22 =	vld.idx.msk [tilespmem:v22+s7+$0x0], $0xffff  }
0x111: {  	v18 =	vld.idx.msk [tilespmem:v18+s7+$0x0], $0xffff  }
0x112: {  	v17 =	vld.idx.msk [tilespmem:v17+s7+$0x0], $0xffff;
	_ =	sdelay $0x2  }
0x113: {  	v20 =	vmul.f32 v25, v20  }
0x114: {  	v21 =	vmul.f32 v22, v21  }
0x115: {  	v18 =	vmul.f32 v18, v23  }
0x116: {  	v22 =	vor.u32 s19, v1;
	v20 =	vadd.f32 v21, v20;
	v21 =	vadd.s32 v34, v11  }
0x117: {  	v23 =	vshll.u32 v22, $0x6;
	v11 =	vshll.u32 v22, $0x8;
	v17 =	vmul.f32 v17, v24  }
0x118: {  	v22 =	vor.u32 v6, v23;
	v24 =	vor.u32 v8, v23;
	v18 =	vadd.f32 v18, v20  }
0x119: {  	v20 =	vor.u32 v7, v23;
	v23 =	vor.u32 v9, v23  }
0x11a: {  	v17 =	vadd.f32 v17, v18;
	_ =	sdelay $0x1  }
0x11b: {  	[tilespmem:v21+s11+$0x0] =	vst.idx.msk $0xffff, v17  }
0x11c: {  	v17 =	vld.idx.msk [tilespmem:v22+s2+$0x0], $0xffff  }
0x11d: {  	v18 =	vld.idx.msk [tilespmem:v20+s2+$0x0], $0xffff  }
0x11e: {  	v20 =	vld.idx.msk [tilespmem:v24+s2+$0x0], $0xffff  }
0x11f: {  	v21 =	vld.idx.msk [tilespmem:v23+s2+$0x0], $0xffff;
	_ =	sdelay $0x2  }
0x120: {  	v22 =	vand.u32 $0x7FFFFFFF, v17;
	vm0 =	vge.f32 v17, $0.0e+00  }
0x121: {  	v17 =	vsel vm0, $0x3F800000, v2;
	v23 =	vand.u32 $0x7FFFFFFF, v18;
	vm0 =	vge.f32 v18, $0.0e+00  }
0x122: {  	v18 =	vand.u32 $0x7FFFFFFF, v20;
	vm1 =	vge.f32 v20, $0.0e+00;
	v20 =	vsel vm0, $0x41100000, v4  }
0x123: {  	v24 =	vand.u32 $0x7FFFFFFF, v21;
	vm0 =	vge.f32 v21, $0.0e+00;
	v21 =	vmin.f32 v22, v18  }
0x124: {  	v36 =	vmax.f32 v22, v18;
	v25 =	vsel vm0, $0x41D80000, v5;
	vm0 =	vle.f32 v23, v24  }
0x125: {  	vm2 =	vle.f32 v22, v18;
	v18 =	vmax.f32 v23, v24;
	v22 =	vsel vm0, v20, v25  }
0x126: {  	v23 =	vmin.f32 v23, v24;
	vm3 =	vle.f32 v36, v18;
	v24 =	vmin.f32 v36, v18  }
0x127: {  	v37 =	vsel vm1, $0x40400000, v3;
	vm1 =	vle.f32 v21, v23;
	v38 =	vmax.f32 v21, v23  }
0x128: {  	v39 =	vsel vm2, v17, v37;
	v17 =	vsel vm2, v37, v17;
	vm2 =	vle.f32 v24, v38  }
0x129: {  	v20 =	vsel vm0, v25, v20;
	v25 =	vsel vm1, v39, v22;
	v22 =	vsel vm1, v22, v39  }
0x12a: {  	v37 =	vsel vm3, v17, v20;
	v17 =	vsel vm3, v20, v17;
	v39 =	vmin.f32 v24, v38  }
0x12b: {  	v20 =	vsel vm2, v37, v22;
	v22 =	vsel vm2, v22, v37;
	v37 =	vadd.f32 $4.000000000e+01, v17  }
0x12c: {  	v36 =	vmax.f32 v36, v18;
	v24 =	vmax.f32 v24, v38;
	v17 =	vadd.f32 v22, v17  }
0x12d: {  	v18 =	vtrunc.f32 v37  }
0x12e: {  	v20 =	vadd.f32 v17, v20;
	v17 =	vadd.f32 $4.000000000e+01, v17;
	v18 =	vcvt.f32.s32 v18;
	_ =	sdelay $0x1  }
0x12f: {  	v22 =	vadd.f32 v20, v25;
	v20 =	vadd.f32 $4.000000000e+01, v20;
	v17 =	vtrunc.f32 v17  }
0x130: {  	v25 =	vcvt.f32.s32 v17;
	v17 =	vadd.s32 v18, v10  }
0x131: {  	v18 =	vadd.f32 $4.000000000e+01, v22;
	v20 =	vtrunc.f32 v20;
	v17 =	vshll.u32 v17, $0x4  }
0x132: {  	v20 =	vcvt.f32.s32 v20;
	v22 =	vadd.s32 v25, v10  }
0x133: {  	v25 =	vtrunc.f32 v18;
	v18 =	vshll.u32 v22, $0x4  }
0x134: {  	v22 =	vcvt.f32.s32 v25;
	v20 =	vadd.s32 v20, v10;
	_ =	sdelay $0x1  }
0x135: {  	v25 =	vadd.s32 v22, v10;
	v22 =	vshll.u32 v20, $0x4  }
0x136: {  	v25 =	vshll.u32 v25, $0x4;
	_ =	sdelay $0x3  }
0x137: {  	v37 =	vld.idx.msk [tilespmem:v22+s7+$0x0], $0xffff  }
0x138: {  	v38 =	vld.idx.msk [tilespmem:v25+s7+$0x0], $0xffff;
	_ =	sdelay $0x1  }
0x139: {  	v40 =	vld.idx.msk [tilespmem:v18+s7+$0x0], $0xffff  }
0x13a: {  	v20 =	vmin.f32 v21, v23  }
0x13b: {  	v21 =	vsub.f32 v39, v20;
	v41 =	vld.idx.msk [tilespmem:v17+s7+$0x0], $0xffff;
	_ =	sdelay $0x1  }
0x13c: {  	v23 =	vsub.f32 v24, v39;
	v37 =	vmul.f32 v21, v37;
	v38 =	vmul.f32 v20, v38;
	_ =	sdelay $0x1  }
0x13d: {  	v24 =	vsub.f32 v36, v24;
	v36 =	vadd.f32 v37, v38;
	v37 =	vmul.f32 v23, v40  }
0x13e: {  	v38 =	vor.u32 v12, v11  }
0x13f: {  	v39 =	vor.u32 $0x1, v25;
	v36 =	vadd.f32 v36, v37;
	v37 =	vmul.f32 v24, v41  }
0x140: {  	v40 =	vor.u32 $0x1, v22  }
0x141: {  	v36 =	vadd.f32 v36, v37  }
0x142: {  	v37 =	vor.u32 $0x1, v18  }
0x143: {  	[tilespmem:v38+s11+$0x0] =	vst.idx.msk $0xffff, v36  }
0x144: {  	v38 =	vor.u32 $0x1, v17;
	v36 =	vld.idx.msk [tilespmem:v39+s7+$0x0], $0xffff  }
0x145: {  	v39 =	vld.idx.msk [tilespmem:v40+s7+$0x0], $0xffff;
	_ =	sdelay $0x1  }
0x146: {  	v37 =	vld.idx.msk [tilespmem:v37+s7+$0x0], $0xffff;
	_ =	sdelay $0x1  }
0x147: {  	v38 =	vld.idx.msk [tilespmem:v38+s7+$0x0], $0xffff  }
0x148: {  	v36 =	vmul.f32 v36, v20  }
0x149: {  	v39 =	vmul.f32 v39, v21;
	_ =	sdelay $0x1  }
0x14a: {  	v36 =	vadd.f32 v39, v36;
	v37 =	vmul.f32 v37, v23  }
0x14b: {  	v39 =	vadd.s32 v13, v11  }
0x14c: {  	v36 =	vadd.f32 v37, v36;
	v37 =	vmul.f32 v38, v24;
	v38 =	vor.u32 $0x2, v25  }
0x14d: {  	v40 =	vor.u32 $0x2, v22  }
0x14e: {  	v36 =	vadd.f32 v37, v36;
	v37 =	vor.u32 $0x2, v18  }
0x14f: {  	v41 =	vor.u32 $0x2, v17  }
0x150: {  	[tilespmem:v39+s11+$0x0] =	vst.idx.msk $0xffff, v36  }
0x151: {  	v36 =	vld.idx.msk [tilespmem:v38+s7+$0x0], $0xffff  }
0x152: {  	v38 =	vld.idx.msk [tilespmem:v40+s7+$0x0], $0xffff  }
0x153: {  	v37 =	vld.idx.msk [tilespmem:v37+s7+$0x0], $0xffff  }
0x154: {  	v39 =	vld.idx.msk [tilespmem:v41+s7+$0x0], $0xffff;
	_ =	sdelay $0x2  }
0x155: {  	v36 =	vmul.f32 v36, v20  }
0x156: {  	v38 =	vmul.f32 v38, v21;
	_ =	sdelay $0x1  }
0x157: {  	v37 =	vmul.f32 v37, v23;
	v36 =	vadd.f32 v38, v36  }
0x158: {  	v38 =	vadd.s32 v14, v11  }
0x159: {  	v36 =	vadd.f32 v37, v36;
	v37 =	vmul.f32 v39, v24;
	v39 =	vor.u32 $0x3, v25  }
0x15a: {  	v40 =	vor.u32 $0x3, v22  }
0x15b: {  	v36 =	vadd.f32 v37, v36;
	v37 =	vor.u32 $0x3, v17  }
0x15c: {  	v41 =	vor.u32 $0x3, v18  }
0x15d: {  	[tilespmem:v38+s11+$0x0] =	vst.idx.msk $0xffff, v36  }
0x15e: {  	v36 =	vld.idx.msk [tilespmem:v39+s7+$0x0], $0xffff  }
0x15f: {  	v38 =	vld.idx.msk [tilespmem:v40+s7+$0x0], $0xffff  }
0x160: {  	v37 =	vld.idx.msk [tilespmem:v37+s7+$0x0], $0xffff  }
0x161: {  	v39 =	vld.idx.msk [tilespmem:v41+s7+$0x0], $0xffff;
	_ =	sdelay $0x3  }
0x162: {  	v36 =	vmul.f32 v36, v20;
	v38 =	vmul.f32 v38, v21;
	_ =	sdelay $0x1  }
0x163: {  	v36 =	vadd.f32 v38, v36;
	v38 =	vmul.f32 v39, v23  }
0x164: {  	v39 =	vadd.s32 v15, v11  }
0x165: {  	v37 =	vmul.f32 v37, v24;
	v36 =	vadd.f32 v38, v36;
	v38 =	vor.u32 $0x4, v25  }
0x166: {  	v40 =	vor.u32 $0x4, v22  }
0x167: {  	v36 =	vadd.f32 v37, v36;
	v37 =	vor.u32 $0x4, v18  }
0x168: {  	v41 =	vor.u32 $0x4, v17  }
0x169: {  	[tilespmem:v39+s11+$0x0] =	vst.idx.msk $0xffff, v36  }
0x16a: {  	v36 =	vld.idx.msk [tilespmem:v38+s7+$0x0], $0xffff  }
0x16b: {  	v38 =	vld.idx.msk [tilespmem:v40+s7+$0x0], $0xffff  }
0x16c: {  	v37 =	vld.idx.msk [tilespmem:v37+s7+$0x0], $0xffff  }
0x16d: {  	v39 =	vld.idx.msk [tilespmem:v41+s7+$0x0], $0xffff;
	_ =	sdelay $0x2  }
0x16e: {  	v36 =	vmul.f32 v36, v20  }
0x16f: {  	v38 =	vmul.f32 v38, v21;
	_ =	sdelay $0x1  }
0x170: {  	v37 =	vmul.f32 v37, v23;
	v36 =	vadd.f32 v38, v36  }
0x171: {  	v38 =	vadd.s32 v16, v11  }
0x172: {  	v36 =	vadd.f32 v37, v36;
	v37 =	vmul.f32 v39, v24;
	v39 =	vor.u32 $0x5, v25  }
0x173: {  	v40 =	vor.u32 $0x5, v22  }
0x174: {  	v36 =	vadd.f32 v37, v36;
	v37 =	vor.u32 $0x5, v17  }
0x175: {  	v41 =	vor.u32 $0x5, v18  }
0x176: {  	[tilespmem:v38+s11+$0x0] =	vst.idx.msk $0xffff, v36  }
0x177: {  	v36 =	vld.idx.msk [tilespmem:v39+s7+$0x0], $0xffff  }
0x178: {  	v38 =	vld.idx.msk [tilespmem:v40+s7+$0x0], $0xffff  }
0x179: {  	v37 =	vld.idx.msk [tilespmem:v37+s7+$0x0], $0xffff  }
0x17a: {  	v39 =	vld.idx.msk [tilespmem:v41+s7+$0x0], $0xffff;
	_ =	sdelay $0x3  }
0x17b: {  	v36 =	vmul.f32 v36, v20;
	v38 =	vmul.f32 v38, v21;
	_ =	sdelay $0x1  }
0x17c: {  	v36 =	vadd.f32 v38, v36;
	v38 =	vmul.f32 v39, v23  }
0x17d: {  	v39 =	vadd.s32 v19, v11  }
0x17e: {  	v37 =	vmul.f32 v37, v24;
	v36 =	vadd.f32 v38, v36;
	v38 =	vor.u32 $0x6, v25  }
0x17f: {  	v40 =	vor.u32 $0x6, v22  }
0x180: {  	v36 =	vadd.f32 v37, v36;
	v37 =	vor.u32 $0x6, v18;
	_ =	sdelay $0x1  }
0x181: {  	[tilespmem:v39+s11+$0x0] =	vst.idx.msk $0xffff, v36  }
0x182: {  	v36 =	vld.idx.msk [tilespmem:v38+s7+$0x0], $0xffff;
	v38 =	vor.u32 $0x6, v17  }
0x183: {  	v39 =	vld.idx.msk [tilespmem:v40+s7+$0x0], $0xffff  }
0x184: {  	v37 =	vld.idx.msk [tilespmem:v37+s7+$0x0], $0xffff;
	_ =	sdelay $0x2  }
0x185: {  	v38 =	vld.idx.msk [tilespmem:v38+s7+$0x0], $0xffff;
	_ =	sdelay $0x1  }
0x186: {  	v36 =	vmul.f32 v36, v20;
	v39 =	vmul.f32 v39, v21;
	_ =	sdelay $0x1  }
0x187: {  	v37 =	vmul.f32 v37, v23;
	v36 =	vadd.f32 v39, v36  }
0x188: {  	v39 =	vadd.s32 v26, v11  }
0x189: {  	v36 =	vadd.f32 v37, v36;
	v37 =	vmul.f32 v38, v24;
	v38 =	vor.u32 $0x7, v25  }
0x18a: {  	v40 =	vor.u32 $0x7, v22  }
0x18b: {  	v36 =	vadd.f32 v37, v36;
	v37 =	vor.u32 $0x7, v18;
	_ =	sdelay $0x1  }
0x18c: {  	[tilespmem:v39+s11+$0x0] =	vst.idx.msk $0xffff, v36  }
0x18d: {  	v36 =	vld.idx.msk [tilespmem:v38+s7+$0x0], $0xffff;
	v38 =	vor.u32 $0x7, v17  }
0x18e: {  	v39 =	vld.idx.msk [tilespmem:v40+s7+$0x0], $0xffff  }
0x18f: {  	v37 =	vld.idx.msk [tilespmem:v37+s7+$0x0], $0xffff;
	_ =	sdelay $0x2  }
0x190: {  	v38 =	vld.idx.msk [tilespmem:v38+s7+$0x0], $0xffff  }
0x191: {  	v36 =	vmul.f32 v36, v20  }
0x192: {  	v39 =	vmul.f32 v39, v21;
	_ =	sdelay $0x1  }
0x193: {  	v37 =	vmul.f32 v37, v23;
	v36 =	vadd.f32 v39, v36  }
0x194: {  	v39 =	vadd.s32 v27, v11  }
0x195: {  	v36 =	vadd.f32 v37, v36;
	v37 =	vmul.f32 v38, v24;
	v38 =	vor.u32 $0x8, v22  }
0x196: {  	v40 =	vor.u32 $0x8, v25  }
0x197: {  	v36 =	vadd.f32 v37, v36;
	v37 =	vor.u32 $0x8, v18;
	_ =	sdelay $0x1  }
0x198: {  	[tilespmem:v39+s11+$0x0] =	vst.idx.msk $0xffff, v36  }
0x199: {  	v36 =	vld.idx.msk [tilespmem:v38+s7+$0x0], $0xffff;
	v38 =	vor.u32 $0x8, v17  }
0x19a: {  	v39 =	vld.idx.msk [tilespmem:v40+s7+$0x0], $0xffff  }
0x19b: {  	v37 =	vld.idx.msk [tilespmem:v37+s7+$0x0], $0xffff;
	_ =	sdelay $0x2  }
0x19c: {  	v38 =	vld.idx.msk [tilespmem:v38+s7+$0x0], $0xffff  }
0x19d: {  	v36 =	vmul.f32 v36, v21  }
0x19e: {  	v39 =	vmul.f32 v39, v20;
	_ =	sdelay $0x1  }
0x19f: {  	v37 =	vmul.f32 v37, v23;
	v36 =	vadd.f32 v36, v39  }
0x1a0: {  	v39 =	vadd.s32 v28, v11  }
0x1a1: {  	v36 =	vadd.f32 v37, v36;
	v37 =	vmul.f32 v38, v24;
	v38 =	vor.u32 $0x9, v25  }
0x1a2: {  	v40 =	vor.u32 $0x9, v22  }
0x1a3: {  	v36 =	vadd.f32 v37, v36;
	v37 =	vor.u32 $0x9, v18  }
0x1a4: {  	v41 =	vor.u32 $0x9, v17  }
0x1a5: {  	[tilespmem:v39+s11+$0x0] =	vst.idx.msk $0xffff, v36  }
0x1a6: {  	v36 =	vld.idx.msk [tilespmem:v38+s7+$0x0], $0xffff  }
0x1a7: {  	v38 =	vld.idx.msk [tilespmem:v40+s7+$0x0], $0xffff  }
0x1a8: {  	v37 =	vld.idx.msk [tilespmem:v37+s7+$0x0], $0xffff  }
0x1a9: {  	v39 =	vld.idx.msk [tilespmem:v41+s7+$0x0], $0xffff;
	_ =	sdelay $0x3  }
0x1aa: {  	v36 =	vmul.f32 v36, v20;
	v38 =	vmul.f32 v38, v21;
	_ =	sdelay $0x1  }
0x1ab: {  	v37 =	vmul.f32 v37, v23;
	v36 =	vadd.f32 v38, v36  }
0x1ac: {  	v38 =	vadd.s32 v29, v11  }
0x1ad: {  	v36 =	vadd.f32 v37, v36;
	v37 =	vmul.f32 v39, v24;
	v39 =	vor.u32 $0xA, v25  }
0x1ae: {  	v40 =	vor.u32 $0xA, v22  }
0x1af: {  	v36 =	vadd.f32 v37, v36;
	v37 =	vor.u32 $0xA, v18  }
0x1b0: {  	v41 =	vor.u32 $0xA, v17  }
0x1b1: {  	[tilespmem:v38+s11+$0x0] =	vst.idx.msk $0xffff, v36  }
0x1b2: {  	v36 =	vld.idx.msk [tilespmem:v39+s7+$0x0], $0xffff  }
0x1b3: {  	v38 =	vld.idx.msk [tilespmem:v40+s7+$0x0], $0xffff  }
0x1b4: {  	v37 =	vld.idx.msk [tilespmem:v37+s7+$0x0], $0xffff  }
0x1b5: {  	v39 =	vld.idx.msk [tilespmem:v41+s7+$0x0], $0xffff;
	_ =	sdelay $0x2  }
0x1b6: {  	v36 =	vmul.f32 v36, v20  }
0x1b7: {  	v38 =	vmul.f32 v38, v21;
	_ =	sdelay $0x1  }
0x1b8: {  	v37 =	vmul.f32 v37, v23;
	v36 =	vadd.f32 v38, v36  }
0x1b9: {  	v38 =	vadd.s32 v30, v11  }
0x1ba: {  	v36 =	vadd.f32 v37, v36;
	v37 =	vmul.f32 v39, v24;
	v39 =	vor.u32 $0xB, v25  }
0x1bb: {  	v40 =	vor.u32 $0xB, v22  }
0x1bc: {  	v36 =	vadd.f32 v37, v36;
	v37 =	vor.u32 $0xB, v18  }
0x1bd: {  	v41 =	vor.u32 $0xB, v17  }
0x1be: {  	[tilespmem:v38+s11+$0x0] =	vst.idx.msk $0xffff, v36  }
0x1bf: {  	v36 =	vld.idx.msk [tilespmem:v39+s7+$0x0], $0xffff  }
0x1c0: {  	v38 =	vld.idx.msk [tilespmem:v40+s7+$0x0], $0xffff  }
0x1c1: {  	v37 =	vld.idx.msk [tilespmem:v37+s7+$0x0], $0xffff  }
0x1c2: {  	v39 =	vld.idx.msk [tilespmem:v41+s7+$0x0], $0xffff;
	_ =	sdelay $0x2  }
0x1c3: {  	v36 =	vmul.f32 v36, v20  }
0x1c4: {  	v38 =	vmul.f32 v38, v21;
	_ =	sdelay $0x1  }
0x1c5: {  	v37 =	vmul.f32 v37, v23;
	v36 =	vadd.f32 v38, v36  }
0x1c6: {  	v38 =	vadd.s32 v31, v11  }
0x1c7: {  	v36 =	vadd.f32 v37, v36;
	v37 =	vmul.f32 v39, v24;
	v39 =	vor.u32 $0xC, v25  }
0x1c8: {  	v40 =	vor.u32 $0xC, v22  }
0x1c9: {  	v36 =	vadd.f32 v37, v36;
	v37 =	vor.u32 $0xC, v18  }
0x1ca: {  	v41 =	vor.u32 $0xC, v17  }
0x1cb: {  	[tilespmem:v38+s11+$0x0] =	vst.idx.msk $0xffff, v36  }
0x1cc: {  	v36 =	vld.idx.msk [tilespmem:v39+s7+$0x0], $0xffff  }
0x1cd: {  	v38 =	vld.idx.msk [tilespmem:v40+s7+$0x0], $0xffff  }
0x1ce: {  	v37 =	vld.idx.msk [tilespmem:v37+s7+$0x0], $0xffff  }
0x1cf: {  	v39 =	vld.idx.msk [tilespmem:v41+s7+$0x0], $0xffff;
	_ =	sdelay $0x3  }
0x1d0: {  	v36 =	vmul.f32 v36, v20;
	v38 =	vmul.f32 v38, v21;
	_ =	sdelay $0x1  }
0x1d1: {  	v37 =	vmul.f32 v37, v23;
	v36 =	vadd.f32 v38, v36  }
0x1d2: {  	v40 =	vor.u32 $0xD, v22;
	v38 =	vadd.s32 v32, v11  }
0x1d3: {  	v36 =	vadd.f32 v37, v36;
	v37 =	vmul.f32 v39, v24;
	v39 =	vor.u32 $0xD, v25;
	_ =	sdelay $0x1  }
0x1d4: {  	v36 =	vadd.f32 v37, v36;
	v37 =	vor.u32 $0xD, v18  }
0x1d5: {  	v41 =	vor.u32 $0xD, v17  }
0x1d6: {  	[tilespmem:v38+s11+$0x0] =	vst.idx.msk $0xffff, v36  }
0x1d7: {  	v36 =	vld.idx.msk [tilespmem:v39+s7+$0x0], $0xffff  }
0x1d8: {  	v38 =	vld.idx.msk [tilespmem:v40+s7+$0x0], $0xffff  }
0x1d9: {  	v37 =	vld.idx.msk [tilespmem:v37+s7+$0x0], $0xffff  }
0x1da: {  	v39 =	vld.idx.msk [tilespmem:v41+s7+$0x0], $0xffff;
	_ =	sdelay $0x2  }
0x1db: {  	v36 =	vmul.f32 v36, v20  }
0x1dc: {  	v38 =	vmul.f32 v38, v21  }
0x1dd: {  	v37 =	vmul.f32 v37, v23  }
0x1de: {  	v36 =	vadd.f32 v38, v36;
	v38 =	vadd.s32 v33, v11  }
0x1df: {  	v39 =	vmul.f32 v39, v24  }
0x1e0: {  	v36 =	vadd.f32 v37, v36;
	v37 =	vor.u32 $0xE, v18  }
0x1e1: {  	v40 =	vor.u32 $0xE, v25  }
0x1e2: {  	v36 =	vadd.f32 v39, v36;
	v39 =	vor.u32 $0xE, v22  }
0x1e3: {  	v41 =	vor.u32 $0xE, v17  }
0x1e4: {  	[tilespmem:v38+s11+$0x0] =	vst.idx.msk $0xffff, v36  }
0x1e5: {  	v37 =	vld.idx.msk [tilespmem:v37+s7+$0x0], $0xffff  }
0x1e6: {  	v38 =	vld.idx.msk [tilespmem:v40+s7+$0x0], $0xffff  }
0x1e7: {  	v39 =	vld.idx.msk [tilespmem:v39+s7+$0x0], $0xffff  }
0x1e8: {  	v36 =	vld.idx.msk [tilespmem:v41+s7+$0x0], $0xffff  }
.Ltmp0:
0x1e9: {  	(pc) =	sbr.rel @p0 .LBB2_4-.Ltmp0, $2  }
0x1ea: {  	_ =	sdelay $0x2  }
0x1eb: {  	v38 =	vmul.f32 v38, v20;
	v39 =	vmul.f32 v39, v21  }
0x1ec: {  	_ = 	snop  }
0x1ed: {  	v7 =	vmul.f32 v37, v23;
	v6 =	vadd.f32 v39, v38  }
0x1ee: {  	v8 =	vadd.s32 v35, v11  }
0x1ef: {  	v9 =	vor.u32 $0xF, v25;
	v6 =	vadd.f32 v7, v6;
	v7 =	vmul.f32 v36, v24  }
0x1f0: {  	v10 =	vor.u32 $0xF, v22  }
0x1f1: {  	v6 =	vadd.f32 v7, v6  }
0x1f2: {  	v7 =	vor.u32 $0xF, v18  }
0x1f3: {  	[tilespmem:v8+s11+$0x0] =	vst.idx.msk $0xffff, v6  }
0x1f4: {  	v6 =	vor.u32 $0xF, v17;
	v8 =	vld.idx.msk [tilespmem:v9+s7+$0x0], $0xffff  }
0x1f5: {  	v62 =	vld.idx.msk [tilespmem:v10+s7+$0x0], $0xffff;
	_ =	sdelay $0x1  }
0x1f6: {  	v7 =	vld.idx.msk [tilespmem:v7+s7+$0x0], $0xffff;
	_ =	sdelay $0x1  }
0x1f7: {  	v6 =	vld.idx.msk [tilespmem:v6+s7+$0x0], $0xffff  }
0x1f8: {  	v8 =	vmul.f32 v8, v20;
	v9 =	vmul.f32 v62, v21;
	_ =	sdelay $0x1  }
0x1f9: {  	s17 =	sadd.s32 $0x1, s17;
	v7 =	vmul.f32 v7, v23;
	v8 =	vadd.f32 v9, v8  }
0x1fa: {  	v63 =	vadd.s32 v34, v11;
	p0 =	sne.s32 s17, $0x10  }
.Ltmp1:
0x1fb: {  	v6 =	vmul.f32 v6, v24;
	v7 =	vadd.f32 v7, v8;
	(pc) =	sbr.rel @p0 .LBB2_3-.Ltmp1, $3  }
0x1fc: {  	_ = 	snop  }
0x1fd: {  	v6 =	vadd.f32 v6, v7;
	_ =	sdelay $0x1  }
0x1fe: {  	[tilespmem:v63+s11+$0x0] =	vst.idx.msk $0xffff, v6  }
0x1ff: {  	s16 =	sshll.u32 s15, $0x12;
	s15 =	sadd.s32 $0x1, s15  }
0x200: {  	p0 =	sne.s32 s15, $0x8  }
.Ltmp2:
0x201: {  	s16 =	sadd.s32 s16, s5;
	(pc) =	sbr.rel @p0 .LBB2_2-.Ltmp2, $4  }
0x202: {  	[hbm4b:s16+s12] =	stream.strided.scatter [tilespmem:s11], [sflag:$0x1], $0x10000, s13, s12, $0x38;
	[tilespmem:$0x19100] =	vst v63  }
0x203: {  	_ =	swait.ge [sflag:s8], $0x10000  }
0x204: {  	[sflag:s8] =	ssyncset.done $0x0  }
0x205: {  	[sflag:s8] =	ssyncadd.s32 $0xFFFF0000  }
0x206: {  	s14 =	sadd.s32 $0x1, s14  }
0x207: {  	p0 =	sne.s32 s14, s6  }
.Ltmp3:
0x208: {  	_ = 	snop;
	(pc) =	sbr.rel @p0 .LBB2_1-.Ltmp3, $1  }
0x209: {  	_ =	sdelay $0x3  }
0x20a: {  	_ =	sfence.sel $0x180000  }
0x20b: {  	[bflag:$0x0] =	sbarrier.arrive $0xFFFF  }
0x20c: {  	p0 =	sne.s32 s0, $0x0;
	_ =	strace $0x90000047  }
0x20d: {  	s0 =	sadd.s32 @!p0 $0x100000, s1;
	[bflag:$0x2] =	sbarrier.arrive $0xFFFF  }
0x20e: {  	[sflag:s0] =	ssyncadd.tile.s32 @!p0 $0x1;
	_ =	shalt  }
.Lfunc_end2:
_tile_overlayer_lowered:
.L_overlay_start_2:
0x20f: {  	(tag) =	ssettag $0x2  }
0x210: {  	s0 =	rddreg [dreg:$0x0];
	s2 =	stileid.u32  }
0x211: {  	s1 =	rddreg [dreg:$0x1];
	p0 =	sne.s32 s2, $0x0  }
0x212: {  	s3 =	rddreg [dreg:$0x2];
	[bflag:$0x3] =	sbarrier.arrive $0xFFFF;
	s2 =	simm.s32 @!p0 $0x1C01  }
0x213: {  	[timem:s3], [sflag:s2] =	dma.local @!p0 [hbm:s0], s1  }
0x214: {  	s0 =	simm.s32 @!p0 $0x1  }
0x215: {  	_ =	swait.ge @!p0 [sflag:s0], s1  }
0x216: {  	s1 =	ssub.s32 @!p0 $0x0, s1;
	[sflag:s0] =	ssyncset.done @!p0 $0x0  }
0x217: {  	[sflag:s0] =	ssyncadd.s32 @!p0 s1  }
0x218: {  	[bflag:$0x3] =	sbarrier.arrive $0xFFFF  }
0x219: {  	_ =	shalt  }

</sc_bundles>
